<compile_context>
chip_gen: v7x
topology: tpu7x:2x2x1
jax: 0.10.2.dev20260603
libtpu: 0.0.44.dev20260713+nightly
codegen_flags: <defaults>
</compile_context>

<pallas_src>
import functools

import jax
import jax.numpy as jnp
from jax import lax
from jax.experimental import pallas as pl
from jax.experimental.pallas import tpu as pltpu
from jax.experimental.pallas import tpu_sc as plsc

N_NODES = 10000
D_FEAT = 128
N_PAD = 10240
PAD_ROW = N_NODES
N_EDGES = 320000
BLK = 128
K_BLK = 80
E_PAD = K_BLK * BLK * 32
ROWS_PER_TILE = N_PAD // 16

_mesh = lambda: plsc.VectorSubcoreMesh(core_axis_name="c", subcore_axis_name="s")
_sc_params = lambda: pltpu.CompilerParams(
    use_tc_tiling_on_sc=False, needs_layout_passes=False
)


def _deg_kernel():
    @functools.partial(
        pl.kernel,
        mesh=_mesh(),
        out_type=jax.ShapeDtypeStruct((2 * N_PAD,), jnp.float32),
        compiler_params=_sc_params(),
        scratch_types=[
            pltpu.VMEM((K_BLK, BLK), jnp.int32),
            pltpu.VMEM((BLK,), jnp.float32),
            pltpu.VMEM((ROWS_PER_TILE,), jnp.float32),
            pltpu.VMEM_SHARED((N_PAD,), jnp.float32),
        ],
    )
    def degk(dst_hbm, out_hbm, dst_v, ones_v, zero_v, acc_sh):
        c = lax.axis_index("c")
        s = lax.axis_index("s")
        pltpu.sync_copy(dst_hbm.at[c * 16 + s], dst_v)
        ones16 = jnp.ones((16,), jnp.float32)
        zero16 = jnp.zeros((16,), jnp.float32)
        for i in range(BLK // 16):
            ones_v[pl.ds(i * 16, 16)] = ones16

        def zb(i, carry):
            zero_v[pl.ds(i * 16, 16)] = zero16
            return carry

        lax.fori_loop(0, ROWS_PER_TILE // 16, zb, 0)
        pltpu.sync_copy(zero_v, acc_sh.at[pl.ds(s * ROWS_PER_TILE, ROWS_PER_TILE)])
        plsc.subcore_barrier()

        def body(j, carry):
            pltpu.sync_copy(ones_v, acc_sh.at[dst_v.at[j]], add=True)
            return carry

        lax.fori_loop(0, K_BLK, body, 0)
        plsc.subcore_barrier()
        pltpu.sync_copy(
            acc_sh.at[pl.ds(s * ROWS_PER_TILE, ROWS_PER_TILE)],
            out_hbm.at[pl.ds(c * N_PAD + s * ROWS_PER_TILE, ROWS_PER_TILE)],
        )

    return degk


def _agg_kernel(d, scale_in_kernel):
    extra_in = [0] if scale_in_kernel else []

    @functools.partial(
        pl.kernel,
        mesh=_mesh(),
        out_type=jax.ShapeDtypeStruct((2, N_PAD, d), jnp.float32),
        compiler_params=_sc_params(),
        scratch_types=[
            pltpu.VMEM((K_BLK, BLK), jnp.int32),
            pltpu.VMEM((K_BLK, BLK), jnp.int32),
            pltpu.VMEM((BLK, d), jnp.float32),
            pltpu.VMEM((BLK, d), jnp.float32),
            pltpu.VMEM((ROWS_PER_TILE, d), jnp.float32),
            pltpu.VMEM((ROWS_PER_TILE,), jnp.float32),
            pltpu.VMEM((ROWS_PER_TILE,), jnp.float32),
            pltpu.SemaphoreType.DMA,
            pltpu.SemaphoreType.DMA,
            pltpu.SemaphoreType.DMA,
            pltpu.SemaphoreType.DMA,
            pltpu.VMEM_SHARED((N_PAD, d), jnp.float32),
            pltpu.VMEM_SHARED((N_PAD, d), jnp.float32),
        ],
    )
    def aggk(p_hbm, src_hbm, dst_hbm, deg_hbm, out_hbm,
             src_v, dst_v, buf0, buf1, zero_v, deg_a, deg_b,
             gs0, gs1, ss0, ss1, acc_sh, p_sh):
        c = lax.axis_index("c")
        s = lax.axis_index("s")
        wid = c * 16 + s
        pltpu.sync_copy(src_hbm.at[wid], src_v)
        pltpu.sync_copy(dst_hbm.at[wid], dst_v)
        zero16 = jnp.zeros((16,), jnp.float32)

        if scale_in_kernel:
            base = s * ROWS_PER_TILE
            pltpu.sync_copy(p_hbm.at[pl.ds(base, ROWS_PER_TILE)], zero_v)
            pltpu.sync_copy(deg_hbm.at[pl.ds(base, ROWS_PER_TILE)], deg_a)
            pltpu.sync_copy(deg_hbm.at[pl.ds(N_PAD + base, ROWS_PER_TILE)], deg_b)

            def sc_body(i, carry):
                dv = deg_a[pl.ds(i * 16, 16)] + deg_b[pl.ds(i * 16, 16)] + 1.0
                bits = plsc.bitcast(dv, jnp.int32)
                y = plsc.bitcast(
                    jnp.int32(0x5F3759DF) - (bits >> 1), jnp.float32
                )
                for _ in range(3):
                    y = y * (1.5 - 0.5 * dv * y * y)
                for lane in range(16):
                    dbb = lax.gather(
                        y,
                        jnp.full((16, 1), lane, jnp.int32),
                        lax.GatherDimensionNumbers(
                            offset_dims=(),
                            collapsed_slice_dims=(0,),
                            start_index_map=(0,),
                        ),
                        (1,),
                        mode=lax.GatherScatterMode.PROMISE_IN_BOUNDS,
                    )
                    r = i * 16 + lane
                    for cc in range(d // 16):
                        zero_v[r, pl.ds(cc * 16, 16)] = (
                            zero_v[r, pl.ds(cc * 16, 16)] * dbb
                        )
                return carry

            lax.fori_loop(0, ROWS_PER_TILE // 16, sc_body, 0)
            pltpu.sync_copy(zero_v, p_sh.at[pl.ds(base, ROWS_PER_TILE)])
        else:
            pltpu.sync_copy(
                p_hbm.at[pl.ds(s * ROWS_PER_TILE, ROWS_PER_TILE)],
                p_sh.at[pl.ds(s * ROWS_PER_TILE, ROWS_PER_TILE)],
            )

        def zb(r, carry):
            for cc in range(d // 16):
                zero_v[r, pl.ds(cc * 16, 16)] = zero16
            return carry

        lax.fori_loop(0, ROWS_PER_TILE, zb, 0)
        pltpu.sync_copy(zero_v, acc_sh.at[pl.ds(s * ROWS_PER_TILE, ROWS_PER_TILE)])
        plsc.subcore_barrier()

        half = K_BLK // 2
        pltpu.async_copy(p_sh.at[src_v.at[0]], buf0, gs0)

        def body(i, carry):
            j0 = 2 * i
            pltpu.make_async_copy(p_sh.at[src_v.at[j0]], buf0, gs0).wait()

            @pl.when(i > 0)
            def _():
                pltpu.make_async_copy(buf1, acc_sh.at[dst_v.at[j0 - 1]], ss1).wait()

            pltpu.async_copy(p_sh.at[src_v.at[j0 + 1]], buf1, gs1)
            pltpu.async_copy(buf0, acc_sh.at[dst_v.at[j0]], ss0, add=True)
            pltpu.make_async_copy(p_sh.at[src_v.at[j0 + 1]], buf1, gs1).wait()
            pltpu.make_async_copy(buf0, acc_sh.at[dst_v.at[j0]], ss0).wait()

            @pl.when(i < half - 1)
            def _():
                pltpu.async_copy(p_sh.at[src_v.at[j0 + 2]], buf0, gs0)

            pltpu.async_copy(buf1, acc_sh.at[dst_v.at[j0 + 1]], ss1, add=True)
            return carry

        lax.fori_loop(0, half, body, 0)
        pltpu.make_async_copy(buf1, acc_sh.at[dst_v.at[K_BLK - 1]], ss1).wait()
        plsc.subcore_barrier()
        pltpu.sync_copy(
            acc_sh.at[pl.ds(s * ROWS_PER_TILE, ROWS_PER_TILE)],
            out_hbm.at[c, pl.ds(s * ROWS_PER_TILE, ROWS_PER_TILE)],
        )

    return aggk


def _dinv_from_flat(degf_ref):
    deg = degf_ref[pl.ds(0, N_PAD)] + degf_ref[pl.ds(N_PAD, N_PAD)] + 1.0
    return jnp.transpose(lax.rsqrt(deg).reshape(1, N_PAD), (1, 0))


def _tc_stage_b(x_ref, w1_ref, u1_ref):
    u = jnp.dot(x_ref[...], w1_ref[...], preferred_element_type=jnp.float32)
    u1_ref[pl.ds(0, N_NODES)] = u
    u1_ref[pl.ds(N_NODES, N_PAD - N_NODES)] = jnp.zeros(
        (N_PAD - N_NODES, 16), jnp.float32
    )


def _tc_stage_d(parts_ref, u1_ref, degf_ref, b1_ref, w2_ref, p2_ref):
    dinv = _dinv_from_flat(degf_ref)
    agg = parts_ref[0] + parts_ref[1] + u1_ref[...] * dinv
    h1 = jnp.maximum(agg * dinv + b1_ref[...], 0.0)
    p2 = jnp.dot(h1 * dinv, w2_ref[...], preferred_element_type=jnp.float32)
    p2_ref[pl.ds(0, N_NODES)] = p2[:N_NODES]
    p2_ref[pl.ds(N_NODES, N_PAD - N_NODES)] = jnp.zeros(
        (N_PAD - N_NODES, 32), jnp.float32
    )


def _tc_stage_f(parts_ref, p2_ref, degf_ref, b2_ref, wout_ref, bout_ref, out_ref):
    dinv = _dinv_from_flat(degf_ref)[:N_NODES]
    agg = parts_ref[0, pl.ds(0, N_NODES)] + parts_ref[1, pl.ds(0, N_NODES)]
    agg = agg + p2_ref[pl.ds(0, N_NODES)]
    h2 = jnp.maximum(agg * dinv + b2_ref[...], 0.0)
    out = jnp.dot(h2, wout_ref[...], preferred_element_type=jnp.float32)
    out_ref[...] = (out + bout_ref[...]).reshape(N_NODES // 10, 10, D_FEAT)


def kernel(x, edge_index, W1, b1, W2, b2, W_out, b_out):
    e_pad = jnp.pad(
        edge_index, ((0, 0), (0, E_PAD - N_EDGES)), constant_values=PAD_ROW
    )
    src = e_pad[0].reshape(32, K_BLK, BLK)
    dst = e_pad[1].reshape(32, K_BLK, BLK)

    deg_flat = _deg_kernel()(dst)

    u1 = pl.pallas_call(
        _tc_stage_b,
        out_shape=jax.ShapeDtypeStruct((N_PAD, 16), jnp.float32),
    )(x, W1)

    agg1 = _agg_kernel(16, True)(u1, src, dst, deg_flat)

    p2 = pl.pallas_call(
        _tc_stage_d,
        out_shape=jax.ShapeDtypeStruct((N_PAD, 32), jnp.float32),
    )(agg1, u1, deg_flat, b1, W2)

    agg2 = _agg_kernel(32, False)(p2, src, dst, deg_flat)

    return pl.pallas_call(
        _tc_stage_f,
        out_shape=jax.ShapeDtypeStruct((N_NODES // 10, 10, D_FEAT), jnp.float32),
    )(agg2, p2, deg_flat, b2, W_out, b_out)

# --- scband reference (transcript-rebuilt; emitter-appended) ---
"""Pipeline reference for scband-motion-gcn-29695403884881 (READ-ONLY COPY).

The authoritative reference and input builder live on the scoring server;
editing this copy changes nothing except your own understanding.
"""

import jax, jax.numpy as jnp
import numpy as np

N_NODES = 10000
N_EDGES = 320000
D_FEAT = 128
BATCH = 1000
N_VERT = 10


def _gcn(x, W, b, src, dst, n):
    # PyG GCNConv: x' = D^{-1/2} (A+I) D^{-1/2} X W + b (self-loops already in src/dst)
    h = x @ W
    deg = jnp.zeros((n,), h.dtype).at[dst].add(1.0)
    dinv = jnp.where(deg > 0, jax.lax.rsqrt(deg), 0.0)
    norm = dinv[src] * dinv[dst]
    msgs = h[src] * norm[:, None]
    out = jnp.zeros((n, h.shape[1]), h.dtype).at[dst].add(msgs)
    return out + b


def setup_inputs(seed: int = 0) -> dict:
    key = jax.random.key(seed)
    ks = jax.random.split(key, 8)
    x = jax.random.normal(ks[0], (N_NODES, D_FEAT), dtype=jnp.float32)
    edge_index = jax.random.randint(ks[1], (2, N_EDGES), 0, N_NODES, dtype=jnp.int32)
    W1 = jax.random.normal(ks[2], (D_FEAT, 16), dtype=jnp.float32) * 0.05
    b1 = jnp.zeros((16,), dtype=jnp.float32)
    W2 = jax.random.normal(ks[3], (16, 32), dtype=jnp.float32) * 0.1
    b2 = jnp.zeros((32,), dtype=jnp.float32)
    W_out = jax.random.uniform(ks[4], (32, D_FEAT), minval=-1e-4, maxval=1e-4, dtype=jnp.float32)
    b_out = jax.random.uniform(ks[5], (D_FEAT,), minval=-1e-4, maxval=1e-4, dtype=jnp.float32)
    return {"x": x, "edge_index": edge_index, "W1": W1, "b1": b1, "W2": W2, "b2": b2, "W_out": W_out, "b_out": b_out}


def reference(x, edge_index, W1, b1, W2, b2, W_out, b_out):
    n = x.shape[0]
    loop = jnp.arange(n, dtype=edge_index.dtype)
    src = jnp.concatenate([edge_index[0], loop])
    dst = jnp.concatenate([edge_index[1], loop])
    h = jax.nn.relu(_gcn(x, W1, b1, src, dst, n))
    # dropout is identity (is_training=False)
    h = jax.nn.relu(_gcn(h, W2, b2, src, dst, n))
    h = h.reshape(BATCH, N_VERT, -1)
    out = h @ W_out + b_out
    return out

if __name__ == "__main__":
    import jax
    _d = setup_inputs()
    print(jax.jit(kernel)(*tuple(_d.values())))

</pallas_src>

<mosaic_0001>
#map = affine_map<(d0, d1) -> (0, 0)>
#map1 = affine_map<(d0, d1) -> (0, 0, 0)>
#map2 = affine_map<(d0, d1) -> (0)>
module attributes {stable_mosaic.version = 14 : i64} {
  func.func @aggk(%arg0: i32, %arg1: i32, %arg2: memref<10240x32xf32, #tpu.memory_space<hbm>>, %arg3: memref<32x80x128xi32, #tpu.memory_space<hbm>>, %arg4: memref<32x80x128xi32, #tpu.memory_space<hbm>>, %arg5: memref<20480xf32, #tpu.memory_space<hbm>>, %arg6: memref<2x10240x32xf32, #tpu.memory_space<hbm>>, %arg7: memref<80x128xi32, #tpu.memory_space<vmem>>, %arg8: memref<80x128xi32, #tpu.memory_space<vmem>>, %arg9: memref<128x32xf32, #tpu.memory_space<vmem>>, %arg10: memref<128x32xf32, #tpu.memory_space<vmem>>, %arg11: memref<640x32xf32, #tpu.memory_space<vmem>>, %arg12: memref<640xf32, #tpu.memory_space<vmem>>, %arg13: memref<640xf32, #tpu.memory_space<vmem>>, %arg14: memref<!tpu.dma_semaphore, #tpu.memory_space<semaphore_mem>>, %arg15: memref<!tpu.dma_semaphore, #tpu.memory_space<semaphore_mem>>, %arg16: memref<!tpu.dma_semaphore, #tpu.memory_space<semaphore_mem>>, %arg17: memref<!tpu.dma_semaphore, #tpu.memory_space<semaphore_mem>>, %arg18: memref<10240x32xf32, #tpu.memory_space<vmem_shared>>, %arg19: memref<10240x32xf32, #tpu.memory_space<vmem_shared>>) attributes {dimension_semantics = [#tpu.dimension_semantics<core_parallel>, #tpu.dimension_semantics<subcore_parallel>], iteration_bounds = array<i64: 2, 16>, scalar_prefetch = 0 : i64, scratch_operands = 13 : i64, tpu.core_type = #tpu.core_type<sc_vector_subcore>, window_params = [{transform_indices = #map}, {transform_indices = #map1}, {transform_indices = #map1}, {transform_indices = #map2}, {transform_indices = #map1}]} {
    %mul3A = arith.constant 16 : i32
    %mul3A_0 = arith.muli %arg0, %mul3A : i32
    %add3A = arith.addi %mul3A_0, %arg1 : i32
    "tpu.region"() ({
      %run_scoped3A = tpu.sem_alloc : memref<!tpu.dma_semaphore, #tpu.memory_space<semaphore_mem>>
      %dma_start3A_36 = arith.constant 0 : i32
      %dma_start3A_37 = arith.constant 0 : i32
      %dma_start3A_38 = tpu.memref_slice %arg3[%add3A, %dma_start3A_36, %dma_start3A_37] : memref<32x80x128xi32, #tpu.memory_space<hbm>> -> memref<1x80x128xi32, #tpu.memory_space<hbm>>
      %dma_start3A_39 = tpu.memref_squeeze %dma_start3A_38 : memref<1x80x128xi32, #tpu.memory_space<hbm>> -> memref<80x128xi32, #tpu.memory_space<hbm>>
      %dma_start3A_40 = arith.constant 0 : i32
      %dma_start3A_41 = arith.constant 0 : i32
      %dma_start3A_42 = tpu.memref_slice %arg3[%add3A, %dma_start3A_40, %dma_start3A_41] : memref<32x80x128xi32, #tpu.memory_space<hbm>> -> memref<1x80x128xi32, #tpu.memory_space<hbm>>
      %dma_start3A_43 = tpu.memref_squeeze %dma_start3A_42 : memref<1x80x128xi32, #tpu.memory_space<hbm>> -> memref<80x128xi32, #tpu.memory_space<hbm>>
      tpu.enqueue_dma source(%dma_start3A_43 : memref<80x128xi32, #tpu.memory_space<hbm>>) target(%arg7 : memref<80x128xi32, #tpu.memory_space<vmem>>) target_semaphore(%run_scoped3A : memref<!tpu.dma_semaphore, #tpu.memory_space<semaphore_mem>>)
      %dma_wait3A_44 = arith.constant 0 : i32
      %dma_wait3A_45 = arith.constant 0 : i32
      %dma_wait3A_46 = tpu.memref_slice %arg3[%add3A, %dma_wait3A_44, %dma_wait3A_45] : memref<32x80x128xi32, #tpu.memory_space<hbm>> -> memref<1x80x128xi32, #tpu.memory_space<hbm>>
      %dma_wait3A_47 = tpu.memref_squeeze %dma_wait3A_46 : memref<1x80x128xi32, #tpu.memory_space<hbm>> -> memref<80x128xi32, #tpu.memory_space<hbm>>
      %dma_wait3A_48 = arith.constant 0 : i32
      %dma_wait3A_49 = arith.constant 0 : i32
      %dma_wait3A_50 = tpu.memref_slice %arg3[%add3A, %dma_wait3A_48, %dma_wait3A_49] : memref<32x80x128xi32, #tpu.memory_space<hbm>> -> memref<1x80x128xi32, #tpu.memory_space<hbm>>
      %dma_wait3A_51 = tpu.memref_squeeze %dma_wait3A_50 : memref<1x80x128xi32, #tpu.memory_space<hbm>> -> memref<80x128xi32, #tpu.memory_space<hbm>>
      tpu.wait_dma2 semaphore(%run_scoped3A : memref<!tpu.dma_semaphore, #tpu.memory_space<semaphore_mem>>) src(%dma_wait3A_51 : memref<80x128xi32, #tpu.memory_space<hbm>>) dst(%arg7 : memref<80x128xi32, #tpu.memory_space<vmem>>)
      tpu.yield
    }) : () -> ()
    "tpu.region"() ({
      %run_scoped3A = tpu.sem_alloc : memref<!tpu.dma_semaphore, #tpu.memory_space<semaphore_mem>>
      %dma_start3A_36 = arith.constant 0 : i32
      %dma_start3A_37 = arith.constant 0 : i32
      %dma_start3A_38 = tpu.memref_slice %arg4[%add3A, %dma_start3A_36, %dma_start3A_37] : memref<32x80x128xi32, #tpu.memory_space<hbm>> -> memref<1x80x128xi32, #tpu.memory_space<hbm>>
      %dma_start3A_39 = tpu.memref_squeeze %dma_start3A_38 : memref<1x80x128xi32, #tpu.memory_space<hbm>> -> memref<80x128xi32, #tpu.memory_space<hbm>>
      %dma_start3A_40 = arith.constant 0 : i32
      %dma_start3A_41 = arith.constant 0 : i32
      %dma_start3A_42 = tpu.memref_slice %arg4[%add3A, %dma_start3A_40, %dma_start3A_41] : memref<32x80x128xi32, #tpu.memory_space<hbm>> -> memref<1x80x128xi32, #tpu.memory_space<hbm>>
      %dma_start3A_43 = tpu.memref_squeeze %dma_start3A_42 : memref<1x80x128xi32, #tpu.memory_space<hbm>> -> memref<80x128xi32, #tpu.memory_space<hbm>>
      tpu.enqueue_dma source(%dma_start3A_43 : memref<80x128xi32, #tpu.memory_space<hbm>>) target(%arg8 : memref<80x128xi32, #tpu.memory_space<vmem>>) target_semaphore(%run_scoped3A : memref<!tpu.dma_semaphore, #tpu.memory_space<semaphore_mem>>)
      %dma_wait3A_44 = arith.constant 0 : i32
      %dma_wait3A_45 = arith.constant 0 : i32
      %dma_wait3A_46 = tpu.memref_slice %arg4[%add3A, %dma_wait3A_44, %dma_wait3A_45] : memref<32x80x128xi32, #tpu.memory_space<hbm>> -> memref<1x80x128xi32, #tpu.memory_space<hbm>>
      %dma_wait3A_47 = tpu.memref_squeeze %dma_wait3A_46 : memref<1x80x128xi32, #tpu.memory_space<hbm>> -> memref<80x128xi32, #tpu.memory_space<hbm>>
      %dma_wait3A_48 = arith.constant 0 : i32
      %dma_wait3A_49 = arith.constant 0 : i32
      %dma_wait3A_50 = tpu.memref_slice %arg4[%add3A, %dma_wait3A_48, %dma_wait3A_49] : memref<32x80x128xi32, #tpu.memory_space<hbm>> -> memref<1x80x128xi32, #tpu.memory_space<hbm>>
      %dma_wait3A_51 = tpu.memref_squeeze %dma_wait3A_50 : memref<1x80x128xi32, #tpu.memory_space<hbm>> -> memref<80x128xi32, #tpu.memory_space<hbm>>
      tpu.wait_dma2 semaphore(%run_scoped3A : memref<!tpu.dma_semaphore, #tpu.memory_space<semaphore_mem>>) src(%dma_wait3A_51 : memref<80x128xi32, #tpu.memory_space<hbm>>) dst(%arg8 : memref<80x128xi32, #tpu.memory_space<vmem>>)
      tpu.yield
    }) : () -> ()
    %broadcast_in_dim3A = arith.constant 0.000000e+00 : f32
    %broadcast_in_dim3A_1 = vector.broadcast %broadcast_in_dim3A : f32 to vector<16xf32>
    %mul3A_2 = arith.constant 640 : i32
    %mul3A_3 = arith.muli %arg1, %mul3A_2 : i32
    %mul3A_4 = arith.constant 640 : i32
    %mul3A_5 = arith.muli %arg1, %mul3A_4 : i32
    "tpu.region"() ({
      %run_scoped3A = tpu.sem_alloc : memref<!tpu.dma_semaphore, #tpu.memory_space<semaphore_mem>>
      %dma_start3A_36 = arith.constant 0 : i32
      %dma_start3A_37 = tpu.memref_slice %arg19[%mul3A_5, %dma_start3A_36] : memref<10240x32xf32, #tpu.memory_space<vmem_shared>> -> memref<640x32xf32, #tpu.memory_space<vmem_shared>>
      %dma_start3A_38 = arith.constant 0 : i32
      %dma_start3A_39 = tpu.memref_slice %arg2[%mul3A_3, %dma_start3A_38] : memref<10240x32xf32, #tpu.memory_space<hbm>> -> memref<640x32xf32, #tpu.memory_space<hbm>>
      tpu.enqueue_dma source(%dma_start3A_39 : memref<640x32xf32, #tpu.memory_space<hbm>>) target(%dma_start3A_37 : memref<640x32xf32, #tpu.memory_space<vmem_shared>>) target_semaphore(%run_scoped3A : memref<!tpu.dma_semaphore, #tpu.memory_space<semaphore_mem>>)
      %dma_wait3A_40 = arith.constant 0 : i32
      %dma_wait3A_41 = tpu.memref_slice %arg19[%mul3A_5, %dma_wait3A_40] : memref<10240x32xf32, #tpu.memory_space<vmem_shared>> -> memref<640x32xf32, #tpu.memory_space<vmem_shared>>
      %dma_wait3A_42 = arith.constant 0 : i32
      %dma_wait3A_43 = tpu.memref_slice %arg2[%mul3A_3, %dma_wait3A_42] : memref<10240x32xf32, #tpu.memory_space<hbm>> -> memref<640x32xf32, #tpu.memory_space<hbm>>
      tpu.wait_dma2 semaphore(%run_scoped3A : memref<!tpu.dma_semaphore, #tpu.memory_space<semaphore_mem>>) src(%dma_wait3A_43 : memref<640x32xf32, #tpu.memory_space<hbm>>) dst(%dma_wait3A_41 : memref<640x32xf32, #tpu.memory_space<vmem_shared>>)
      tpu.yield
    }) : () -> ()
    %scan3A = arith.constant 0 : i32
    %scan3A_6 = arith.constant 0 : i32
    %scan3A_7 = arith.constant 640 : i32
    %scan3A_8 = arith.addi %scan3A_6, %scan3A_7 : i32
    %scan3A_9 = arith.constant 1 : i32
    scf.for %scan3A_36 = %scan3A_6 to %scan3A_8 step %scan3A_9  : i32 {
      %swap3A = arith.index_cast %scan3A_36 : i32 to index
      %swap3A_37 = arith.constant 0 : index
      %swap3A_38 = tpu.vector_load %arg11[%swap3A, %swap3A_37] {strides = array<i32>} : memref<640x32xf32, #tpu.memory_space<vmem>>, vector<16xf32>,
      tpu.vector_store %arg11[%swap3A, %swap3A_37], %broadcast_in_dim3A_1 {strides = array<i32>} : memref<640x32xf32, #tpu.memory_space<vmem>>, vector<16xf32>,
      %swap3A_39 = arith.index_cast %scan3A_36 : i32 to index
      %swap3A_40 = arith.constant 16 : index
      %swap3A_41 = tpu.vector_load %arg11[%swap3A_39, %swap3A_40] {strides = array<i32>} : memref<640x32xf32, #tpu.memory_space<vmem>>, vector<16xf32>,
      tpu.vector_store %arg11[%swap3A_39, %swap3A_40], %broadcast_in_dim3A_1 {strides = array<i32>} : memref<640x32xf32, #tpu.memory_space<vmem>>, vector<16xf32>,
    }
    %scan3A_10 = arith.constant 640 : i32
    %mul3A_11 = arith.constant 640 : i32
    %mul3A_12 = arith.muli %arg1, %mul3A_11 : i32
    "tpu.region"() ({
      %run_scoped3A = tpu.sem_alloc : memref<!tpu.dma_semaphore, #tpu.memory_space<semaphore_mem>>
      %dma_start3A_36 = arith.constant 0 : i32
      %dma_start3A_37 = tpu.memref_slice %arg18[%mul3A_12, %dma_start3A_36] : memref<10240x32xf32, #tpu.memory_space<vmem_shared>> -> memref<640x32xf32, #tpu.memory_space<vmem_shared>>
      %dma_start3A_38 = arith.constant 0 : i32
      %dma_start3A_39 = tpu.memref_slice %arg18[%mul3A_12, %dma_start3A_38] : memref<10240x32xf32, #tpu.memory_space<vmem_shared>> -> memref<640x32xf32, #tpu.memory_space<vmem_shared>>
      tpu.enqueue_dma source(%arg11 : memref<640x32xf32, #tpu.memory_space<vmem>>) target(%dma_start3A_39 : memref<640x32xf32, #tpu.memory_space<vmem_shared>>) target_semaphore(%run_scoped3A : memref<!tpu.dma_semaphore, #tpu.memory_space<semaphore_mem>>)
      %dma_wait3A_40 = arith.constant 0 : i32
      %dma_wait3A_41 = tpu.memref_slice %arg18[%mul3A_12, %dma_wait3A_40] : memref<10240x32xf32, #tpu.memory_space<vmem_shared>> -> memref<640x32xf32, #tpu.memory_space<vmem_shared>>
      %dma_wait3A_42 = arith.constant 0 : i32
      %dma_wait3A_43 = tpu.memref_slice %arg18[%mul3A_12, %dma_wait3A_42] : memref<10240x32xf32, #tpu.memory_space<vmem_shared>> -> memref<640x32xf32, #tpu.memory_space<vmem_shared>>
      tpu.wait_dma2 semaphore(%run_scoped3A : memref<!tpu.dma_semaphore, #tpu.memory_space<semaphore_mem>>) src(%arg11 : memref<640x32xf32, #tpu.memory_space<vmem>>) dst(%dma_wait3A_43 : memref<640x32xf32, #tpu.memory_space<vmem_shared>>)
      tpu.yield
    }) : () -> ()
    %barrier3A = arith.constant 0 : index
    tpu.barrier barrier_id(%barrier3A)
    %dma_start3A = arith.constant 0 : i32
    %dma_start3A_13 = arith.constant 0 : i32
    %dma_start3A_14 = tpu.memref_slice %arg7[%dma_start3A, %dma_start3A_13] : memref<80x128xi32, #tpu.memory_space<vmem>> -> memref<1x128xi32, #tpu.memory_space<vmem>>
    %dma_start3A_15 = tpu.memref_squeeze %dma_start3A_14 : memref<1x128xi32, #tpu.memory_space<vmem>> -> memref<128xi32, #tpu.memory_space<vmem>>
    %dma_start3A_16 = arith.constant 0 : i32
    %dma_start3A_17 = arith.constant 0 : i32
    %dma_start3A_18 = tpu.memref_slice %arg19[%dma_start3A_16, %dma_start3A_17] : memref<10240x32xf32, #tpu.memory_space<vmem_shared>> -> memref<10240x32xf32, #tpu.memory_space<vmem_shared>>
    tpu.enqueue_indirect_dma source(%dma_start3A_18 : memref<10240x32xf32, #tpu.memory_space<vmem_shared>>) target(%arg9 : memref<128x32xf32, #tpu.memory_space<vmem>>) offsets(%dma_start3A_15 : memref<128xi32, #tpu.memory_space<vmem>>) semaphore(%arg14 : memref<!tpu.dma_semaphore, #tpu.memory_space<semaphore_mem>>)
    %scan3A_19 = arith.constant 0 : i32
    %scan3A_20 = arith.constant 0 : i32
    %scan3A_21 = arith.constant 40 : i32
    %scan3A_22 = arith.addi %scan3A_20, %scan3A_21 : i32
    %scan3A_23 = arith.constant 1 : i32
    scf.for %scan3A_36 = %scan3A_20 to %scan3A_22 step %scan3A_23  : i32 {
      %mul3A_37 = arith.constant 2 : i32
      %mul3A_38 = arith.muli %mul3A_37, %scan3A_36 : i32
      %dma_wait3A_39 = arith.constant 0 : i32
      %dma_wait3A_40 = tpu.memref_slice %arg7[%mul3A_38, %dma_wait3A_39] : memref<80x128xi32, #tpu.memory_space<vmem>> -> memref<1x128xi32, #tpu.memory_space<vmem>>
      %dma_wait3A_41 = tpu.memref_squeeze %dma_wait3A_40 : memref<1x128xi32, #tpu.memory_space<vmem>> -> memref<128xi32, #tpu.memory_space<vmem>>
      %dma_wait3A_42 = arith.constant 0 : i32
      %dma_wait3A_43 = arith.constant 0 : i32
      %dma_wait3A_44 = tpu.memref_slice %arg19[%dma_wait3A_42, %dma_wait3A_43] : memref<10240x32xf32, #tpu.memory_space<vmem_shared>> -> memref<10240x32xf32, #tpu.memory_space<vmem_shared>>
      tpu.wait_indirect_dma semaphore(%arg14 : memref<!tpu.dma_semaphore, #tpu.memory_space<semaphore_mem>>) src(%dma_wait3A_44 : memref<10240x32xf32, #tpu.memory_space<vmem_shared>>) dst(%arg9 : memref<128x32xf32, #tpu.memory_space<vmem>>)
      %gt3A = arith.constant 0 : i32
      %gt3A_45 = arith.cmpi sgt, %scan3A_36, %gt3A : i32
      %convert_element_type3A = arith.extui %gt3A_45 : i1 to i32
      %cond3A = arith.constant 0 : i32
      %cond3A_46 = arith.cmpi ne, %convert_element_type3A, %cond3A : i32
      scf.if %cond3A_46 {
        %sub3A = arith.constant 1 : i32
        %sub3A_87 = arith.subi %mul3A_38, %sub3A : i32
        %dma_wait3A_88 = arith.constant 0 : i32
        %dma_wait3A_89 = tpu.memref_slice %arg8[%sub3A_87, %dma_wait3A_88] : memref<80x128xi32, #tpu.memory_space<vmem>> -> memref<1x128xi32, #tpu.memory_space<vmem>>
        %dma_wait3A_90 = tpu.memref_squeeze %dma_wait3A_89 : memref<1x128xi32, #tpu.memory_space<vmem>> -> memref<128xi32, #tpu.memory_space<vmem>>
        %dma_wait3A_91 = arith.constant 0 : i32
        %dma_wait3A_92 = arith.constant 0 : i32
        %dma_wait3A_93 = tpu.memref_slice %arg18[%dma_wait3A_91, %dma_wait3A_92] : memref<10240x32xf32, #tpu.memory_space<vmem_shared>> -> memref<10240x32xf32, #tpu.memory_space<vmem_shared>>
        tpu.wait_indirect_dma semaphore(%arg17 : memref<!tpu.dma_semaphore, #tpu.memory_space<semaphore_mem>>) src(%arg10 : memref<128x32xf32, #tpu.memory_space<vmem>>) dst(%dma_wait3A_93 : memref<10240x32xf32, #tpu.memory_space<vmem_shared>>)
      } else {
      }
      %add3A_47 = arith.constant 1 : i32
      %add3A_48 = arith.addi %mul3A_38, %add3A_47 : i32
      %dma_start3A_49 = arith.constant 0 : i32
      %dma_start3A_50 = tpu.memref_slice %arg7[%add3A_48, %dma_start3A_49] : memref<80x128xi32, #tpu.memory_space<vmem>> -> memref<1x128xi32, #tpu.memory_space<vmem>>
      %dma_start3A_51 = tpu.memref_squeeze %dma_start3A_50 : memref<1x128xi32, #tpu.memory_space<vmem>> -> memref<128xi32, #tpu.memory_space<vmem>>
      %dma_start3A_52 = arith.constant 0 : i32
      %dma_start3A_53 = arith.constant 0 : i32
      %dma_start3A_54 = tpu.memref_slice %arg19[%dma_start3A_52, %dma_start3A_53] : memref<10240x32xf32, #tpu.memory_space<vmem_shared>> -> memref<10240x32xf32, #tpu.memory_space<vmem_shared>>
      tpu.enqueue_indirect_dma source(%dma_start3A_54 : memref<10240x32xf32, #tpu.memory_space<vmem_shared>>) target(%arg10 : memref<128x32xf32, #tpu.memory_space<vmem>>) offsets(%dma_start3A_51 : memref<128xi32, #tpu.memory_space<vmem>>) semaphore(%arg15 : memref<!tpu.dma_semaphore, #tpu.memory_space<semaphore_mem>>)
      %dma_start3A_55 = arith.constant 0 : i32
      %dma_start3A_56 = tpu.memref_slice %arg8[%mul3A_38, %dma_start3A_55] : memref<80x128xi32, #tpu.memory_space<vmem>> -> memref<1x128xi32, #tpu.memory_space<vmem>>
      %dma_start3A_57 = tpu.memref_squeeze %dma_start3A_56 : memref<1x128xi32, #tpu.memory_space<vmem>> -> memref<128xi32, #tpu.memory_space<vmem>>
      %dma_start3A_58 = arith.constant 0 : i32
      %dma_start3A_59 = arith.constant 0 : i32
      %dma_start3A_60 = tpu.memref_slice %arg18[%dma_start3A_58, %dma_start3A_59] : memref<10240x32xf32, #tpu.memory_space<vmem_shared>> -> memref<10240x32xf32, #tpu.memory_space<vmem_shared>>
      tpu.enqueue_indirect_dma source(%arg9 : memref<128x32xf32, #tpu.memory_space<vmem>>) target(%dma_start3A_60 : memref<10240x32xf32, #tpu.memory_space<vmem_shared>>) offsets(%dma_start3A_57 : memref<128xi32, #tpu.memory_space<vmem>>) semaphore(%arg16 : memref<!tpu.dma_semaphore, #tpu.memory_space<semaphore_mem>>) {add = true}
      %add3A_61 = arith.constant 1 : i32
      %add3A_62 = arith.addi %mul3A_38, %add3A_61 : i32
      %dma_wait3A_63 = arith.constant 0 : i32
      %dma_wait3A_64 = tpu.memref_slice %arg7[%add3A_62, %dma_wait3A_63] : memref<80x128xi32, #tpu.memory_space<vmem>> -> memref<1x128xi32, #tpu.memory_space<vmem>>
      %dma_wait3A_65 = tpu.memref_squeeze %dma_wait3A_64 : memref<1x128xi32, #tpu.memory_space<vmem>> -> memref<128xi32, #tpu.memory_space<vmem>>
      %dma_wait3A_66 = arith.constant 0 : i32
      %dma_wait3A_67 = arith.constant 0 : i32
      %dma_wait3A_68 = tpu.memref_slice %arg19[%dma_wait3A_66, %dma_wait3A_67] : memref<10240x32xf32, #tpu.memory_space<vmem_shared>> -> memref<10240x32xf32, #tpu.memory_space<vmem_shared>>
      tpu.wait_indirect_dma semaphore(%arg15 : memref<!tpu.dma_semaphore, #tpu.memory_space<semaphore_mem>>) src(%dma_wait3A_68 : memref<10240x32xf32, #tpu.memory_space<vmem_shared>>) dst(%arg10 : memref<128x32xf32, #tpu.memory_space<vmem>>)
      %dma_wait3A_69 = arith.constant 0 : i32
      %dma_wait3A_70 = tpu.memref_slice %arg8[%mul3A_38, %dma_wait3A_69] : memref<80x128xi32, #tpu.memory_space<vmem>> -> memref<1x128xi32, #tpu.memory_space<vmem>>
      %dma_wait3A_71 = tpu.memref_squeeze %dma_wait3A_70 : memref<1x128xi32, #tpu.memory_space<vmem>> -> memref<128xi32, #tpu.memory_space<vmem>>
      %dma_wait3A_72 = arith.constant 0 : i32
      %dma_wait3A_73 = arith.constant 0 : i32
      %dma_wait3A_74 = tpu.memref_slice %arg18[%dma_wait3A_72, %dma_wait3A_73] : memref<10240x32xf32, #tpu.memory_space<vmem_shared>> -> memref<10240x32xf32, #tpu.memory_space<vmem_shared>>
      tpu.wait_indirect_dma semaphore(%arg16 : memref<!tpu.dma_semaphore, #tpu.memory_space<semaphore_mem>>) src(%arg9 : memref<128x32xf32, #tpu.memory_space<vmem>>) dst(%dma_wait3A_74 : memref<10240x32xf32, #tpu.memory_space<vmem_shared>>)
      %lt3A = arith.constant 39 : i32
      %lt3A_75 = arith.cmpi slt, %scan3A_36, %lt3A : i32
      %convert_element_type3A_76 = arith.extui %lt3A_75 : i1 to i32
      %cond3A_77 = arith.constant 0 : i32
      %cond3A_78 = arith.cmpi ne, %convert_element_type3A_76, %cond3A_77 : i32
      scf.if %cond3A_78 {
        %add3A_87 = arith.constant 2 : i32
        %add3A_88 = arith.addi %mul3A_38, %add3A_87 : i32
        %dma_start3A_89 = arith.constant 0 : i32
        %dma_start3A_90 = tpu.memref_slice %arg7[%add3A_88, %dma_start3A_89] : memref<80x128xi32, #tpu.memory_space<vmem>> -> memref<1x128xi32, #tpu.memory_space<vmem>>
        %dma_start3A_91 = tpu.memref_squeeze %dma_start3A_90 : memref<1x128xi32, #tpu.memory_space<vmem>> -> memref<128xi32, #tpu.memory_space<vmem>>
        %dma_start3A_92 = arith.constant 0 : i32
        %dma_start3A_93 = arith.constant 0 : i32
        %dma_start3A_94 = tpu.memref_slice %arg19[%dma_start3A_92, %dma_start3A_93] : memref<10240x32xf32, #tpu.memory_space<vmem_shared>> -> memref<10240x32xf32, #tpu.memory_space<vmem_shared>>
        tpu.enqueue_indirect_dma source(%dma_start3A_94 : memref<10240x32xf32, #tpu.memory_space<vmem_shared>>) target(%arg9 : memref<128x32xf32, #tpu.memory_space<vmem>>) offsets(%dma_start3A_91 : memref<128xi32, #tpu.memory_space<vmem>>) semaphore(%arg14 : memref<!tpu.dma_semaphore, #tpu.memory_space<semaphore_mem>>)
      } else {
      }
      %add3A_79 = arith.constant 1 : i32
      %add3A_80 = arith.addi %mul3A_38, %add3A_79 : i32
      %dma_start3A_81 = arith.constant 0 : i32
      %dma_start3A_82 = tpu.memref_slice %arg8[%add3A_80, %dma_start3A_81] : memref<80x128xi32, #tpu.memory_space<vmem>> -> memref<1x128xi32, #tpu.memory_space<vmem>>
      %dma_start3A_83 = tpu.memref_squeeze %dma_start3A_82 : memref<1x128xi32, #tpu.memory_space<vmem>> -> memref<128xi32, #tpu.memory_space<vmem>>
      %dma_start3A_84 = arith.constant 0 : i32
      %dma_start3A_85 = arith.constant 0 : i32
      %dma_start3A_86 = tpu.memref_slice %arg18[%dma_start3A_84, %dma_start3A_85] : memref<10240x32xf32, #tpu.memory_space<vmem_shared>> -> memref<10240x32xf32, #tpu.memory_space<vmem_shared>>
      tpu.enqueue_indirect_dma source(%arg10 : memref<128x32xf32, #tpu.memory_space<vmem>>) target(%dma_start3A_86 : memref<10240x32xf32, #tpu.memory_space<vmem_shared>>) offsets(%dma_start3A_83 : memref<128xi32, #tpu.memory_space<vmem>>) semaphore(%arg17 : memref<!tpu.dma_semaphore, #tpu.memory_space<semaphore_mem>>) {add = true}
    }
    %scan3A_24 = arith.constant 40 : i32
    %dma_wait3A = arith.constant 79 : i32
    %dma_wait3A_25 = arith.constant 0 : i32
    %dma_wait3A_26 = tpu.memref_slice %arg8[%dma_wait3A, %dma_wait3A_25] : memref<80x128xi32, #tpu.memory_space<vmem>> -> memref<1x128xi32, #tpu.memory_space<vmem>>
    %dma_wait3A_27 = tpu.memref_squeeze %dma_wait3A_26 : memref<1x128xi32, #tpu.memory_space<vmem>> -> memref<128xi32, #tpu.memory_space<vmem>>
    %dma_wait3A_28 = arith.constant 0 : i32
    %dma_wait3A_29 = arith.constant 0 : i32
    %dma_wait3A_30 = tpu.memref_slice %arg18[%dma_wait3A_28, %dma_wait3A_29] : memref<10240x32xf32, #tpu.memory_space<vmem_shared>> -> memref<10240x32xf32, #tpu.memory_space<vmem_shared>>
    tpu.wait_indirect_dma semaphore(%arg17 : memref<!tpu.dma_semaphore, #tpu.memory_space<semaphore_mem>>) src(%arg10 : memref<128x32xf32, #tpu.memory_space<vmem>>) dst(%dma_wait3A_30 : memref<10240x32xf32, #tpu.memory_space<vmem_shared>>)
    %barrier3A_31 = arith.constant 0 : index
    tpu.barrier barrier_id(%barrier3A_31)
    %mul3A_32 = arith.constant 640 : i32
    %mul3A_33 = arith.muli %arg1, %mul3A_32 : i32
    %mul3A_34 = arith.constant 640 : i32
    %mul3A_35 = arith.muli %arg1, %mul3A_34 : i32
    "tpu.region"() ({
      %run_scoped3A = tpu.sem_alloc : memref<!tpu.dma_semaphore, #tpu.memory_space<semaphore_mem>>
      %dma_start3A_36 = arith.constant 0 : i32
      %dma_start3A_37 = tpu.memref_slice %arg6[%arg0, %mul3A_35, %dma_start3A_36] : memref<2x10240x32xf32, #tpu.memory_space<hbm>> -> memref<1x640x32xf32, #tpu.memory_space<hbm>>
      %dma_start3A_38 = tpu.memref_squeeze %dma_start3A_37 : memref<1x640x32xf32, #tpu.memory_space<hbm>> -> memref<640x32xf32, #tpu.memory_space<hbm>>
      %dma_start3A_39 = arith.constant 0 : i32
      %dma_start3A_40 = tpu.memref_slice %arg18[%mul3A_33, %dma_start3A_39] : memref<10240x32xf32, #tpu.memory_space<vmem_shared>> -> memref<640x32xf32, #tpu.memory_space<vmem_shared>>
      tpu.enqueue_dma source(%dma_start3A_40 : memref<640x32xf32, #tpu.memory_space<vmem_shared>>) target(%dma_start3A_38 : memref<640x32xf32, #tpu.memory_space<hbm>>) target_semaphore(%run_scoped3A : memref<!tpu.dma_semaphore, #tpu.memory_space<semaphore_mem>>)
      %dma_wait3A_41 = arith.constant 0 : i32
      %dma_wait3A_42 = tpu.memref_slice %arg6[%arg0, %mul3A_35, %dma_wait3A_41] : memref<2x10240x32xf32, #tpu.memory_space<hbm>> -> memref<1x640x32xf32, #tpu.memory_space<hbm>>
      %dma_wait3A_43 = tpu.memref_squeeze %dma_wait3A_42 : memref<1x640x32xf32, #tpu.memory_space<hbm>> -> memref<640x32xf32, #tpu.memory_space<hbm>>
      %dma_wait3A_44 = arith.constant 0 : i32
      %dma_wait3A_45 = tpu.memref_slice %arg18[%mul3A_33, %dma_wait3A_44] : memref<10240x32xf32, #tpu.memory_space<vmem_shared>> -> memref<640x32xf32, #tpu.memory_space<vmem_shared>>
      tpu.wait_dma2 semaphore(%run_scoped3A : memref<!tpu.dma_semaphore, #tpu.memory_space<semaphore_mem>>) src(%dma_wait3A_45 : memref<640x32xf32, #tpu.memory_space<vmem_shared>>) dst(%dma_wait3A_43 : memref<640x32xf32, #tpu.memory_space<hbm>>)
      tpu.yield
    }) : () -> ()
    return
  }
}

#map = affine_map<(d0, d1) -> (0, 0, 0)>
#map1 = affine_map<(d0, d1) -> (0)>
module attributes {stable_mosaic.version = 14 : i64} {
  func.func @degk(%arg0: i32, %arg1: i32, %arg2: memref<32x80x128xi32, #tpu.memory_space<hbm>>, %arg3: memref<20480xf32, #tpu.memory_space<hbm>>, %arg4: memref<80x128xi32, #tpu.memory_space<vmem>>, %arg5: memref<128xf32, #tpu.memory_space<vmem>>, %arg6: memref<640xf32, #tpu.memory_space<vmem>>, %arg7: memref<10240xf32, #tpu.memory_space<vmem_shared>>) attributes {dimension_semantics = [#tpu.dimension_semantics<core_parallel>, #tpu.dimension_semantics<subcore_parallel>], iteration_bounds = array<i64: 2, 16>, scalar_prefetch = 0 : i64, scratch_operands = 4 : i64, tpu.core_type = #tpu.core_type<sc_vector_subcore>, window_params = [{transform_indices = #map}, {transform_indices = #map1}]} {
    %mul3A = arith.constant 16 : i32
    %mul3A_0 = arith.muli %arg0, %mul3A : i32
    %add3A = arith.addi %mul3A_0, %arg1 : i32
    "tpu.region"() ({
      %run_scoped3A = tpu.sem_alloc : memref<!tpu.dma_semaphore, #tpu.memory_space<semaphore_mem>>
      %dma_start3A = arith.constant 0 : i32
      %dma_start3A_40 = arith.constant 0 : i32
      %dma_start3A_41 = tpu.memref_slice %arg2[%add3A, %dma_start3A, %dma_start3A_40] : memref<32x80x128xi32, #tpu.memory_space<hbm>> -> memref<1x80x128xi32, #tpu.memory_space<hbm>>
      %dma_start3A_42 = tpu.memref_squeeze %dma_start3A_41 : memref<1x80x128xi32, #tpu.memory_space<hbm>> -> memref<80x128xi32, #tpu.memory_space<hbm>>
      %dma_start3A_43 = arith.constant 0 : i32
      %dma_start3A_44 = arith.constant 0 : i32
      %dma_start3A_45 = tpu.memref_slice %arg2[%add3A, %dma_start3A_43, %dma_start3A_44] : memref<32x80x128xi32, #tpu.memory_space<hbm>> -> memref<1x80x128xi32, #tpu.memory_space<hbm>>
      %dma_start3A_46 = tpu.memref_squeeze %dma_start3A_45 : memref<1x80x128xi32, #tpu.memory_space<hbm>> -> memref<80x128xi32, #tpu.memory_space<hbm>>
      tpu.enqueue_dma source(%dma_start3A_46 : memref<80x128xi32, #tpu.memory_space<hbm>>) target(%arg4 : memref<80x128xi32, #tpu.memory_space<vmem>>) target_semaphore(%run_scoped3A : memref<!tpu.dma_semaphore, #tpu.memory_space<semaphore_mem>>)
      %dma_wait3A = arith.constant 0 : i32
      %dma_wait3A_47 = arith.constant 0 : i32
      %dma_wait3A_48 = tpu.memref_slice %arg2[%add3A, %dma_wait3A, %dma_wait3A_47] : memref<32x80x128xi32, #tpu.memory_space<hbm>> -> memref<1x80x128xi32, #tpu.memory_space<hbm>>
      %dma_wait3A_49 = tpu.memref_squeeze %dma_wait3A_48 : memref<1x80x128xi32, #tpu.memory_space<hbm>> -> memref<80x128xi32, #tpu.memory_space<hbm>>
      %dma_wait3A_50 = arith.constant 0 : i32
      %dma_wait3A_51 = arith.constant 0 : i32
      %dma_wait3A_52 = tpu.memref_slice %arg2[%add3A, %dma_wait3A_50, %dma_wait3A_51] : memref<32x80x128xi32, #tpu.memory_space<hbm>> -> memref<1x80x128xi32, #tpu.memory_space<hbm>>
      %dma_wait3A_53 = tpu.memref_squeeze %dma_wait3A_52 : memref<1x80x128xi32, #tpu.memory_space<hbm>> -> memref<80x128xi32, #tpu.memory_space<hbm>>
      tpu.wait_dma2 semaphore(%run_scoped3A : memref<!tpu.dma_semaphore, #tpu.memory_space<semaphore_mem>>) src(%dma_wait3A_53 : memref<80x128xi32, #tpu.memory_space<hbm>>) dst(%arg4 : memref<80x128xi32, #tpu.memory_space<vmem>>)
      tpu.yield
    }) : () -> ()
    %broadcast_in_dim3A = arith.constant 1.000000e+00 : f32
    %broadcast_in_dim3A_1 = vector.broadcast %broadcast_in_dim3A : f32 to vector<16xf32>
    %broadcast_in_dim3A_2 = arith.constant 0.000000e+00 : f32
    %broadcast_in_dim3A_3 = vector.broadcast %broadcast_in_dim3A_2 : f32 to vector<16xf32>
    %swap3A = arith.constant 0 : index
    %swap3A_4 = tpu.vector_load %arg5[%swap3A] {strides = array<i32>} : memref<128xf32, #tpu.memory_space<vmem>>, vector<16xf32>,
    tpu.vector_store %arg5[%swap3A], %broadcast_in_dim3A_1 {strides = array<i32>} : memref<128xf32, #tpu.memory_space<vmem>>, vector<16xf32>,
    %swap3A_5 = arith.constant 16 : index
    %swap3A_6 = tpu.vector_load %arg5[%swap3A_5] {strides = array<i32>} : memref<128xf32, #tpu.memory_space<vmem>>, vector<16xf32>,
    tpu.vector_store %arg5[%swap3A_5], %broadcast_in_dim3A_1 {strides = array<i32>} : memref<128xf32, #tpu.memory_space<vmem>>, vector<16xf32>,
    %swap3A_7 = arith.constant 32 : index
    %swap3A_8 = tpu.vector_load %arg5[%swap3A_7] {strides = array<i32>} : memref<128xf32, #tpu.memory_space<vmem>>, vector<16xf32>,
    tpu.vector_store %arg5[%swap3A_7], %broadcast_in_dim3A_1 {strides = array<i32>} : memref<128xf32, #tpu.memory_space<vmem>>, vector<16xf32>,
    %swap3A_9 = arith.constant 48 : index
    %swap3A_10 = tpu.vector_load %arg5[%swap3A_9] {strides = array<i32>} : memref<128xf32, #tpu.memory_space<vmem>>, vector<16xf32>,
    tpu.vector_store %arg5[%swap3A_9], %broadcast_in_dim3A_1 {strides = array<i32>} : memref<128xf32, #tpu.memory_space<vmem>>, vector<16xf32>,
    %swap3A_11 = arith.constant 64 : index
    %swap3A_12 = tpu.vector_load %arg5[%swap3A_11] {strides = array<i32>} : memref<128xf32, #tpu.memory_space<vmem>>, vector<16xf32>,
    tpu.vector_store %arg5[%swap3A_11], %broadcast_in_dim3A_1 {strides = array<i32>} : memref<128xf32, #tpu.memory_space<vmem>>, vector<16xf32>,
    %swap3A_13 = arith.constant 80 : index
    %swap3A_14 = tpu.vector_load %arg5[%swap3A_13] {strides = array<i32>} : memref<128xf32, #tpu.memory_space<vmem>>, vector<16xf32>,
    tpu.vector_store %arg5[%swap3A_13], %broadcast_in_dim3A_1 {strides = array<i32>} : memref<128xf32, #tpu.memory_space<vmem>>, vector<16xf32>,
    %swap3A_15 = arith.constant 96 : index
    %swap3A_16 = tpu.vector_load %arg5[%swap3A_15] {strides = array<i32>} : memref<128xf32, #tpu.memory_space<vmem>>, vector<16xf32>,
    tpu.vector_store %arg5[%swap3A_15], %broadcast_in_dim3A_1 {strides = array<i32>} : memref<128xf32, #tpu.memory_space<vmem>>, vector<16xf32>,
    %swap3A_17 = arith.constant 112 : index
    %swap3A_18 = tpu.vector_load %arg5[%swap3A_17] {strides = array<i32>} : memref<128xf32, #tpu.memory_space<vmem>>, vector<16xf32>,
    tpu.vector_store %arg5[%swap3A_17], %broadcast_in_dim3A_1 {strides = array<i32>} : memref<128xf32, #tpu.memory_space<vmem>>, vector<16xf32>,
    %scan3A = arith.constant 0 : i32
    %scan3A_19 = arith.constant 0 : i32
    %scan3A_20 = arith.constant 40 : i32
    %scan3A_21 = arith.addi %scan3A_19, %scan3A_20 : i32
    %scan3A_22 = arith.constant 1 : i32
    scf.for %scan3A_40 = %scan3A_19 to %scan3A_21 step %scan3A_22  : i32 {
      %mul3A_41 = arith.constant 16 : i32
      %mul3A_42 = arith.muli %scan3A_40, %mul3A_41 : i32
      %swap3A_43 = arith.index_cast %mul3A_42 : i32 to index
      %swap3A_44 = tpu.vector_load %arg6[%swap3A_43] {strides = array<i32>} : memref<640xf32, #tpu.memory_space<vmem>>, vector<16xf32>,
      tpu.vector_store %arg6[%swap3A_43], %broadcast_in_dim3A_3 {strides = array<i32>} : memref<640xf32, #tpu.memory_space<vmem>>, vector<16xf32>,
    }
    %scan3A_23 = arith.constant 40 : i32
    %mul3A_24 = arith.constant 640 : i32
    %mul3A_25 = arith.muli %arg1, %mul3A_24 : i32
    "tpu.region"() ({
      %run_scoped3A = tpu.sem_alloc : memref<!tpu.dma_semaphore, #tpu.memory_space<semaphore_mem>>
      %dma_start3A = tpu.memref_slice %arg7[%mul3A_25] : memref<10240xf32, #tpu.memory_space<vmem_shared>> -> memref<640xf32, #tpu.memory_space<vmem_shared>>
      %dma_start3A_40 = tpu.memref_slice %arg7[%mul3A_25] : memref<10240xf32, #tpu.memory_space<vmem_shared>> -> memref<640xf32, #tpu.memory_space<vmem_shared>>
      tpu.enqueue_dma source(%arg6 : memref<640xf32, #tpu.memory_space<vmem>>) target(%dma_start3A_40 : memref<640xf32, #tpu.memory_space<vmem_shared>>) target_semaphore(%run_scoped3A : memref<!tpu.dma_semaphore, #tpu.memory_space<semaphore_mem>>)
      %dma_wait3A = tpu.memref_slice %arg7[%mul3A_25] : memref<10240xf32, #tpu.memory_space<vmem_shared>> -> memref<640xf32, #tpu.memory_space<vmem_shared>>
      %dma_wait3A_41 = tpu.memref_slice %arg7[%mul3A_25] : memref<10240xf32, #tpu.memory_space<vmem_shared>> -> memref<640xf32, #tpu.memory_space<vmem_shared>>
      tpu.wait_dma2 semaphore(%run_scoped3A : memref<!tpu.dma_semaphore, #tpu.memory_space<semaphore_mem>>) src(%arg6 : memref<640xf32, #tpu.memory_space<vmem>>) dst(%dma_wait3A_41 : memref<640xf32, #tpu.memory_space<vmem_shared>>)
      tpu.yield
    }) : () -> ()
    %barrier3A = arith.constant 0 : index
    tpu.barrier barrier_id(%barrier3A)
    %scan3A_26 = arith.constant 0 : i32
    %scan3A_27 = arith.constant 0 : i32
    %scan3A_28 = arith.constant 80 : i32
    %scan3A_29 = arith.addi %scan3A_27, %scan3A_28 : i32
    %scan3A_30 = arith.constant 1 : i32
    scf.for %scan3A_40 = %scan3A_27 to %scan3A_29 step %scan3A_30  : i32 {
      "tpu.region"() ({
        %run_scoped3A = tpu.sem_alloc : memref<!tpu.dma_semaphore, #tpu.memory_space<semaphore_mem>>
        %dma_start3A = arith.constant 0 : i32
        %dma_start3A_41 = tpu.memref_slice %arg4[%scan3A_40, %dma_start3A] : memref<80x128xi32, #tpu.memory_space<vmem>> -> memref<1x128xi32, #tpu.memory_space<vmem>>
        %dma_start3A_42 = tpu.memref_squeeze %dma_start3A_41 : memref<1x128xi32, #tpu.memory_space<vmem>> -> memref<128xi32, #tpu.memory_space<vmem>>
        %dma_start3A_43 = arith.constant 0 : i32
        %dma_start3A_44 = tpu.memref_slice %arg7[%dma_start3A_43] : memref<10240xf32, #tpu.memory_space<vmem_shared>> -> memref<10240xf32, #tpu.memory_space<vmem_shared>>
        tpu.enqueue_indirect_dma source(%arg5 : memref<128xf32, #tpu.memory_space<vmem>>) target(%dma_start3A_44 : memref<10240xf32, #tpu.memory_space<vmem_shared>>) offsets(%dma_start3A_42 : memref<128xi32, #tpu.memory_space<vmem>>) semaphore(%run_scoped3A : memref<!tpu.dma_semaphore, #tpu.memory_space<semaphore_mem>>) {add = true}
        %dma_wait3A = arith.constant 0 : i32
        %dma_wait3A_45 = tpu.memref_slice %arg4[%scan3A_40, %dma_wait3A] : memref<80x128xi32, #tpu.memory_space<vmem>> -> memref<1x128xi32, #tpu.memory_space<vmem>>
        %dma_wait3A_46 = tpu.memref_squeeze %dma_wait3A_45 : memref<1x128xi32, #tpu.memory_space<vmem>> -> memref<128xi32, #tpu.memory_space<vmem>>
        %dma_wait3A_47 = arith.constant 0 : i32
        %dma_wait3A_48 = tpu.memref_slice %arg7[%dma_wait3A_47] : memref<10240xf32, #tpu.memory_space<vmem_shared>> -> memref<10240xf32, #tpu.memory_space<vmem_shared>>
        tpu.wait_indirect_dma semaphore(%run_scoped3A : memref<!tpu.dma_semaphore, #tpu.memory_space<semaphore_mem>>) src(%arg5 : memref<128xf32, #tpu.memory_space<vmem>>) dst(%dma_wait3A_48 : memref<10240xf32, #tpu.memory_space<vmem_shared>>)
        tpu.yield
      }) : () -> ()
    }
    %scan3A_31 = arith.constant 80 : i32
    %barrier3A_32 = arith.constant 0 : index
    tpu.barrier barrier_id(%barrier3A_32)
    %mul3A_33 = arith.constant 640 : i32
    %mul3A_34 = arith.muli %arg1, %mul3A_33 : i32
    %mul3A_35 = arith.constant 10240 : i32
    %mul3A_36 = arith.muli %arg0, %mul3A_35 : i32
    %mul3A_37 = arith.constant 640 : i32
    %mul3A_38 = arith.muli %arg1, %mul3A_37 : i32
    %add3A_39 = arith.addi %mul3A_36, %mul3A_38 : i32
    "tpu.region"() ({
      %run_scoped3A = tpu.sem_alloc : memref<!tpu.dma_semaphore, #tpu.memory_space<semaphore_mem>>
      %dma_start3A = tpu.memref_slice %arg3[%add3A_39] : memref<20480xf32, #tpu.memory_space<hbm>> -> memref<640xf32, #tpu.memory_space<hbm>>
      %dma_start3A_40 = tpu.memref_slice %arg7[%mul3A_34] : memref<10240xf32, #tpu.memory_space<vmem_shared>> -> memref<640xf32, #tpu.memory_space<vmem_shared>>
      tpu.enqueue_dma source(%dma_start3A_40 : memref<640xf32, #tpu.memory_space<vmem_shared>>) target(%dma_start3A : memref<640xf32, #tpu.memory_space<hbm>>) target_semaphore(%run_scoped3A : memref<!tpu.dma_semaphore, #tpu.memory_space<semaphore_mem>>)
      %dma_wait3A = tpu.memref_slice %arg3[%add3A_39] : memref<20480xf32, #tpu.memory_space<hbm>> -> memref<640xf32, #tpu.memory_space<hbm>>
      %dma_wait3A_41 = tpu.memref_slice %arg7[%mul3A_34] : memref<10240xf32, #tpu.memory_space<vmem_shared>> -> memref<640xf32, #tpu.memory_space<vmem_shared>>
      tpu.wait_dma2 semaphore(%run_scoped3A : memref<!tpu.dma_semaphore, #tpu.memory_space<semaphore_mem>>) src(%dma_wait3A_41 : memref<640xf32, #tpu.memory_space<vmem_shared>>) dst(%dma_wait3A : memref<640xf32, #tpu.memory_space<hbm>>)
      tpu.yield
    }) : () -> ()
    return
  }
}

#map = affine_map<(d0, d1) -> (0, 0)>
#map1 = affine_map<(d0, d1) -> (0, 0, 0)>
#map2 = affine_map<(d0, d1) -> (0)>
module attributes {stable_mosaic.version = 14 : i64} {
  func.func @aggk(%arg0: i32, %arg1: i32, %arg2: memref<10240x16xf32, #tpu.memory_space<hbm>>, %arg3: memref<32x80x128xi32, #tpu.memory_space<hbm>>, %arg4: memref<32x80x128xi32, #tpu.memory_space<hbm>>, %arg5: memref<20480xf32, #tpu.memory_space<hbm>>, %arg6: memref<2x10240x16xf32, #tpu.memory_space<hbm>>, %arg7: memref<80x128xi32, #tpu.memory_space<vmem>>, %arg8: memref<80x128xi32, #tpu.memory_space<vmem>>, %arg9: memref<128x16xf32, #tpu.memory_space<vmem>>, %arg10: memref<128x16xf32, #tpu.memory_space<vmem>>, %arg11: memref<640x16xf32, #tpu.memory_space<vmem>>, %arg12: memref<640xf32, #tpu.memory_space<vmem>>, %arg13: memref<640xf32, #tpu.memory_space<vmem>>, %arg14: memref<!tpu.dma_semaphore, #tpu.memory_space<semaphore_mem>>, %arg15: memref<!tpu.dma_semaphore, #tpu.memory_space<semaphore_mem>>, %arg16: memref<!tpu.dma_semaphore, #tpu.memory_space<semaphore_mem>>, %arg17: memref<!tpu.dma_semaphore, #tpu.memory_space<semaphore_mem>>, %arg18: memref<10240x16xf32, #tpu.memory_space<vmem_shared>>, %arg19: memref<10240x16xf32, #tpu.memory_space<vmem_shared>>) attributes {dimension_semantics = [#tpu.dimension_semantics<core_parallel>, #tpu.dimension_semantics<subcore_parallel>], iteration_bounds = array<i64: 2, 16>, scalar_prefetch = 0 : i64, scratch_operands = 13 : i64, tpu.core_type = #tpu.core_type<sc_vector_subcore>, window_params = [{transform_indices = #map}, {transform_indices = #map1}, {transform_indices = #map1}, {transform_indices = #map2}, {transform_indices = #map1}]} {
    %mul3A = arith.constant 16 : i32
    %mul3A_0 = arith.muli %arg0, %mul3A : i32
    %add3A = arith.addi %mul3A_0, %arg1 : i32
    "tpu.region"() ({
      %run_scoped3A = tpu.sem_alloc : memref<!tpu.dma_semaphore, #tpu.memory_space<semaphore_mem>>
      %dma_start3A_42 = arith.constant 0 : i32
      %dma_start3A_43 = arith.constant 0 : i32
      %dma_start3A_44 = tpu.memref_slice %arg3[%add3A, %dma_start3A_42, %dma_start3A_43] : memref<32x80x128xi32, #tpu.memory_space<hbm>> -> memref<1x80x128xi32, #tpu.memory_space<hbm>>
      %dma_start3A_45 = tpu.memref_squeeze %dma_start3A_44 : memref<1x80x128xi32, #tpu.memory_space<hbm>> -> memref<80x128xi32, #tpu.memory_space<hbm>>
      %dma_start3A_46 = arith.constant 0 : i32
      %dma_start3A_47 = arith.constant 0 : i32
      %dma_start3A_48 = tpu.memref_slice %arg3[%add3A, %dma_start3A_46, %dma_start3A_47] : memref<32x80x128xi32, #tpu.memory_space<hbm>> -> memref<1x80x128xi32, #tpu.memory_space<hbm>>
      %dma_start3A_49 = tpu.memref_squeeze %dma_start3A_48 : memref<1x80x128xi32, #tpu.memory_space<hbm>> -> memref<80x128xi32, #tpu.memory_space<hbm>>
      tpu.enqueue_dma source(%dma_start3A_49 : memref<80x128xi32, #tpu.memory_space<hbm>>) target(%arg7 : memref<80x128xi32, #tpu.memory_space<vmem>>) target_semaphore(%run_scoped3A : memref<!tpu.dma_semaphore, #tpu.memory_space<semaphore_mem>>)
      %dma_wait3A_50 = arith.constant 0 : i32
      %dma_wait3A_51 = arith.constant 0 : i32
      %dma_wait3A_52 = tpu.memref_slice %arg3[%add3A, %dma_wait3A_50, %dma_wait3A_51] : memref<32x80x128xi32, #tpu.memory_space<hbm>> -> memref<1x80x128xi32, #tpu.memory_space<hbm>>
      %dma_wait3A_53 = tpu.memref_squeeze %dma_wait3A_52 : memref<1x80x128xi32, #tpu.memory_space<hbm>> -> memref<80x128xi32, #tpu.memory_space<hbm>>
      %dma_wait3A_54 = arith.constant 0 : i32
      %dma_wait3A_55 = arith.constant 0 : i32
      %dma_wait3A_56 = tpu.memref_slice %arg3[%add3A, %dma_wait3A_54, %dma_wait3A_55] : memref<32x80x128xi32, #tpu.memory_space<hbm>> -> memref<1x80x128xi32, #tpu.memory_space<hbm>>
      %dma_wait3A_57 = tpu.memref_squeeze %dma_wait3A_56 : memref<1x80x128xi32, #tpu.memory_space<hbm>> -> memref<80x128xi32, #tpu.memory_space<hbm>>
      tpu.wait_dma2 semaphore(%run_scoped3A : memref<!tpu.dma_semaphore, #tpu.memory_space<semaphore_mem>>) src(%dma_wait3A_57 : memref<80x128xi32, #tpu.memory_space<hbm>>) dst(%arg7 : memref<80x128xi32, #tpu.memory_space<vmem>>)
      tpu.yield
    }) : () -> ()
    "tpu.region"() ({
      %run_scoped3A = tpu.sem_alloc : memref<!tpu.dma_semaphore, #tpu.memory_space<semaphore_mem>>
      %dma_start3A_42 = arith.constant 0 : i32
      %dma_start3A_43 = arith.constant 0 : i32
      %dma_start3A_44 = tpu.memref_slice %arg4[%add3A, %dma_start3A_42, %dma_start3A_43] : memref<32x80x128xi32, #tpu.memory_space<hbm>> -> memref<1x80x128xi32, #tpu.memory_space<hbm>>
      %dma_start3A_45 = tpu.memref_squeeze %dma_start3A_44 : memref<1x80x128xi32, #tpu.memory_space<hbm>> -> memref<80x128xi32, #tpu.memory_space<hbm>>
      %dma_start3A_46 = arith.constant 0 : i32
      %dma_start3A_47 = arith.constant 0 : i32
      %dma_start3A_48 = tpu.memref_slice %arg4[%add3A, %dma_start3A_46, %dma_start3A_47] : memref<32x80x128xi32, #tpu.memory_space<hbm>> -> memref<1x80x128xi32, #tpu.memory_space<hbm>>
      %dma_start3A_49 = tpu.memref_squeeze %dma_start3A_48 : memref<1x80x128xi32, #tpu.memory_space<hbm>> -> memref<80x128xi32, #tpu.memory_space<hbm>>
      tpu.enqueue_dma source(%dma_start3A_49 : memref<80x128xi32, #tpu.memory_space<hbm>>) target(%arg8 : memref<80x128xi32, #tpu.memory_space<vmem>>) target_semaphore(%run_scoped3A : memref<!tpu.dma_semaphore, #tpu.memory_space<semaphore_mem>>)
      %dma_wait3A_50 = arith.constant 0 : i32
      %dma_wait3A_51 = arith.constant 0 : i32
      %dma_wait3A_52 = tpu.memref_slice %arg4[%add3A, %dma_wait3A_50, %dma_wait3A_51] : memref<32x80x128xi32, #tpu.memory_space<hbm>> -> memref<1x80x128xi32, #tpu.memory_space<hbm>>
      %dma_wait3A_53 = tpu.memref_squeeze %dma_wait3A_52 : memref<1x80x128xi32, #tpu.memory_space<hbm>> -> memref<80x128xi32, #tpu.memory_space<hbm>>
      %dma_wait3A_54 = arith.constant 0 : i32
      %dma_wait3A_55 = arith.constant 0 : i32
      %dma_wait3A_56 = tpu.memref_slice %arg4[%add3A, %dma_wait3A_54, %dma_wait3A_55] : memref<32x80x128xi32, #tpu.memory_space<hbm>> -> memref<1x80x128xi32, #tpu.memory_space<hbm>>
      %dma_wait3A_57 = tpu.memref_squeeze %dma_wait3A_56 : memref<1x80x128xi32, #tpu.memory_space<hbm>> -> memref<80x128xi32, #tpu.memory_space<hbm>>
      tpu.wait_dma2 semaphore(%run_scoped3A : memref<!tpu.dma_semaphore, #tpu.memory_space<semaphore_mem>>) src(%dma_wait3A_57 : memref<80x128xi32, #tpu.memory_space<hbm>>) dst(%arg8 : memref<80x128xi32, #tpu.memory_space<vmem>>)
      tpu.yield
    }) : () -> ()
    %broadcast_in_dim3A = arith.constant 0.000000e+00 : f32
    %broadcast_in_dim3A_1 = vector.broadcast %broadcast_in_dim3A : f32 to vector<16xf32>
    %mul3A_2 = arith.constant 640 : i32
    %mul3A_3 = arith.muli %arg1, %mul3A_2 : i32
    "tpu.region"() ({
      %run_scoped3A = tpu.sem_alloc : memref<!tpu.dma_semaphore, #tpu.memory_space<semaphore_mem>>
      %dma_start3A_42 = arith.constant 0 : i32
      %dma_start3A_43 = tpu.memref_slice %arg2[%mul3A_3, %dma_start3A_42] : memref<10240x16xf32, #tpu.memory_space<hbm>> -> memref<640x16xf32, #tpu.memory_space<hbm>>
      %dma_start3A_44 = arith.constant 0 : i32
      %dma_start3A_45 = tpu.memref_slice %arg2[%mul3A_3, %dma_start3A_44] : memref<10240x16xf32, #tpu.memory_space<hbm>> -> memref<640x16xf32, #tpu.memory_space<hbm>>
      tpu.enqueue_dma source(%dma_start3A_45 : memref<640x16xf32, #tpu.memory_space<hbm>>) target(%arg11 : memref<640x16xf32, #tpu.memory_space<vmem>>) target_semaphore(%run_scoped3A : memref<!tpu.dma_semaphore, #tpu.memory_space<semaphore_mem>>)
      %dma_wait3A_46 = arith.constant 0 : i32
      %dma_wait3A_47 = tpu.memref_slice %arg2[%mul3A_3, %dma_wait3A_46] : memref<10240x16xf32, #tpu.memory_space<hbm>> -> memref<640x16xf32, #tpu.memory_space<hbm>>
      %dma_wait3A_48 = arith.constant 0 : i32
      %dma_wait3A_49 = tpu.memref_slice %arg2[%mul3A_3, %dma_wait3A_48] : memref<10240x16xf32, #tpu.memory_space<hbm>> -> memref<640x16xf32, #tpu.memory_space<hbm>>
      tpu.wait_dma2 semaphore(%run_scoped3A : memref<!tpu.dma_semaphore, #tpu.memory_space<semaphore_mem>>) src(%dma_wait3A_49 : memref<640x16xf32, #tpu.memory_space<hbm>>) dst(%arg11 : memref<640x16xf32, #tpu.memory_space<vmem>>)
      tpu.yield
    }) : () -> ()
    "tpu.region"() ({
      %run_scoped3A = tpu.sem_alloc : memref<!tpu.dma_semaphore, #tpu.memory_space<semaphore_mem>>
      %dma_start3A_42 = tpu.memref_slice %arg5[%mul3A_3] : memref<20480xf32, #tpu.memory_space<hbm>> -> memref<640xf32, #tpu.memory_space<hbm>>
      %dma_start3A_43 = tpu.memref_slice %arg5[%mul3A_3] : memref<20480xf32, #tpu.memory_space<hbm>> -> memref<640xf32, #tpu.memory_space<hbm>>
      tpu.enqueue_dma source(%dma_start3A_43 : memref<640xf32, #tpu.memory_space<hbm>>) target(%arg12 : memref<640xf32, #tpu.memory_space<vmem>>) target_semaphore(%run_scoped3A : memref<!tpu.dma_semaphore, #tpu.memory_space<semaphore_mem>>)
      %dma_wait3A_44 = tpu.memref_slice %arg5[%mul3A_3] : memref<20480xf32, #tpu.memory_space<hbm>> -> memref<640xf32, #tpu.memory_space<hbm>>
      %dma_wait3A_45 = tpu.memref_slice %arg5[%mul3A_3] : memref<20480xf32, #tpu.memory_space<hbm>> -> memref<640xf32, #tpu.memory_space<hbm>>
      tpu.wait_dma2 semaphore(%run_scoped3A : memref<!tpu.dma_semaphore, #tpu.memory_space<semaphore_mem>>) src(%dma_wait3A_45 : memref<640xf32, #tpu.memory_space<hbm>>) dst(%arg12 : memref<640xf32, #tpu.memory_space<vmem>>)
      tpu.yield
    }) : () -> ()
    %add3A_4 = arith.constant 10240 : i32
    %add3A_5 = arith.addi %add3A_4, %mul3A_3 : i32
    "tpu.region"() ({
      %run_scoped3A = tpu.sem_alloc : memref<!tpu.dma_semaphore, #tpu.memory_space<semaphore_mem>>
      %dma_start3A_42 = tpu.memref_slice %arg5[%add3A_5] : memref<20480xf32, #tpu.memory_space<hbm>> -> memref<640xf32, #tpu.memory_space<hbm>>
      %dma_start3A_43 = tpu.memref_slice %arg5[%add3A_5] : memref<20480xf32, #tpu.memory_space<hbm>> -> memref<640xf32, #tpu.memory_space<hbm>>
      tpu.enqueue_dma source(%dma_start3A_43 : memref<640xf32, #tpu.memory_space<hbm>>) target(%arg13 : memref<640xf32, #tpu.memory_space<vmem>>) target_semaphore(%run_scoped3A : memref<!tpu.dma_semaphore, #tpu.memory_space<semaphore_mem>>)
      %dma_wait3A_44 = tpu.memref_slice %arg5[%add3A_5] : memref<20480xf32, #tpu.memory_space<hbm>> -> memref<640xf32, #tpu.memory_space<hbm>>
      %dma_wait3A_45 = tpu.memref_slice %arg5[%add3A_5] : memref<20480xf32, #tpu.memory_space<hbm>> -> memref<640xf32, #tpu.memory_space<hbm>>
      tpu.wait_dma2 semaphore(%run_scoped3A : memref<!tpu.dma_semaphore, #tpu.memory_space<semaphore_mem>>) src(%dma_wait3A_45 : memref<640xf32, #tpu.memory_space<hbm>>) dst(%arg13 : memref<640xf32, #tpu.memory_space<vmem>>)
      tpu.yield
    }) : () -> ()
    %scan3A = arith.constant 0 : i32
    %scan3A_6 = arith.constant 0 : i32
    %scan3A_7 = arith.constant 40 : i32
    %scan3A_8 = arith.addi %scan3A_6, %scan3A_7 : i32
    %scan3A_9 = arith.constant 1 : i32
    scf.for %scan3A_42 = %scan3A_6 to %scan3A_8 step %scan3A_9  : i32 {
      %mul3A_43 = arith.constant 16 : i32
      %mul3A_44 = arith.muli %scan3A_42, %mul3A_43 : i32
      %get3A = arith.index_cast %mul3A_44 : i32 to index
      %get3A_45 = tpu.vector_load %arg12[%get3A] {strides = array<i32>} : memref<640xf32, #tpu.memory_space<vmem>>, vector<16xf32>,
      %mul3A_46 = arith.constant 16 : i32
      %mul3A_47 = arith.muli %scan3A_42, %mul3A_46 : i32
      %get3A_48 = arith.index_cast %mul3A_47 : i32 to index
      %get3A_49 = tpu.vector_load %arg13[%get3A_48] {strides = array<i32>} : memref<640xf32, #tpu.memory_space<vmem>>, vector<16xf32>,
      %add3A_50 = arith.addf %get3A_45, %get3A_49 : vector<16xf32>
      %add3A_51 = arith.constant 1.000000e+00 : f32
      %add3A_52 = vector.broadcast %add3A_51 : f32 to vector<16xf32>
      %add3A_53 = arith.addf %add3A_50, %add3A_52 : vector<16xf32>
      %bitcast3A = vector.bitcast %add3A_53 : vector<16xf32> to vector<16xi32>
      %shift_right_arithmetic3A = arith.constant 1 : i32
      %shift_right_arithmetic3A_54 = vector.broadcast %shift_right_arithmetic3A : i32 to vector<16xi32>
      %shift_right_arithmetic3A_55 = arith.shrsi %bitcast3A, %shift_right_arithmetic3A_54 : vector<16xi32>
      %sub3A = arith.constant 1597463007 : i32
      %sub3A_56 = vector.broadcast %sub3A : i32 to vector<16xi32>
      %sub3A_57 = arith.subi %sub3A_56, %shift_right_arithmetic3A_55 : vector<16xi32>
      %bitcast3A_58 = vector.bitcast %sub3A_57 : vector<16xi32> to vector<16xf32>
      %mul3A_59 = arith.constant 5.000000e-01 : f32
      %mul3A_60 = vector.broadcast %mul3A_59 : f32 to vector<16xf32>
      %mul3A_61 = arith.mulf %mul3A_60, %add3A_53 : vector<16xf32>
      %mul3A_62 = arith.mulf %mul3A_61, %bitcast3A_58 : vector<16xf32>
      %mul3A_63 = arith.mulf %mul3A_62, %bitcast3A_58 : vector<16xf32>
      %sub3A_64 = arith.constant 1.500000e+00 : f32
      %sub3A_65 = vector.broadcast %sub3A_64 : f32 to vector<16xf32>
      %sub3A_66 = arith.subf %sub3A_65, %mul3A_63 : vector<16xf32>
      %mul3A_67 = arith.mulf %bitcast3A_58, %sub3A_66 : vector<16xf32>
      %mul3A_68 = arith.constant 5.000000e-01 : f32
      %mul3A_69 = vector.broadcast %mul3A_68 : f32 to vector<16xf32>
      %mul3A_70 = arith.mulf %mul3A_69, %add3A_53 : vector<16xf32>
      %mul3A_71 = arith.mulf %mul3A_70, %mul3A_67 : vector<16xf32>
      %mul3A_72 = arith.mulf %mul3A_71, %mul3A_67 : vector<16xf32>
      %sub3A_73 = arith.constant 1.500000e+00 : f32
      %sub3A_74 = vector.broadcast %sub3A_73 : f32 to vector<16xf32>
      %sub3A_75 = arith.subf %sub3A_74, %mul3A_72 : vector<16xf32>
      %mul3A_76 = arith.mulf %mul3A_67, %sub3A_75 : vector<16xf32>
      %mul3A_77 = arith.constant 5.000000e-01 : f32
      %mul3A_78 = vector.broadcast %mul3A_77 : f32 to vector<16xf32>
      %mul3A_79 = arith.mulf %mul3A_78, %add3A_53 : vector<16xf32>
      %mul3A_80 = arith.mulf %mul3A_79, %mul3A_76 : vector<16xf32>
      %mul3A_81 = arith.mulf %mul3A_80, %mul3A_76 : vector<16xf32>
      %sub3A_82 = arith.constant 1.500000e+00 : f32
      %sub3A_83 = vector.broadcast %sub3A_82 : f32 to vector<16xf32>
      %sub3A_84 = arith.subf %sub3A_83, %mul3A_81 : vector<16xf32>
      %mul3A_85 = arith.mulf %mul3A_76, %sub3A_84 : vector<16xf32>
      %broadcast_in_dim3A_86 = arith.constant 0 : i32
      %broadcast_in_dim3A_87 = vector.broadcast %broadcast_in_dim3A_86 : i32 to vector<16x1xi32>
      %gather3A = vector.shape_cast %broadcast_in_dim3A_87 : vector<16x1xi32> to vector<16xi32>
      %gather3A_88 = tpu.dynamic_gather %mul3A_85[%gather3A] in [0] : vector<16xf32>, vector<16xi32> -> vector<16xf32>
      %mul3A_89 = arith.constant 16 : i32
      %mul3A_90 = arith.muli %scan3A_42, %mul3A_89 : i32
      %add3A_91 = arith.constant 0 : i32
      %add3A_92 = arith.addi %mul3A_90, %add3A_91 : i32
      %get3A_93 = arith.index_cast %add3A_92 : i32 to index
      %get3A_94 = arith.constant 0 : index
      %get3A_95 = tpu.vector_load %arg11[%get3A_93, %get3A_94] {strides = array<i32>} : memref<640x16xf32, #tpu.memory_space<vmem>>, vector<16xf32>,
      %mul3A_96 = arith.mulf %get3A_95, %gather3A_88 : vector<16xf32>
      %swap3A = arith.index_cast %add3A_92 : i32 to index
      %swap3A_97 = arith.constant 0 : index
      %swap3A_98 = tpu.vector_load %arg11[%swap3A, %swap3A_97] {strides = array<i32>} : memref<640x16xf32, #tpu.memory_space<vmem>>, vector<16xf32>,
      tpu.vector_store %arg11[%swap3A, %swap3A_97], %mul3A_96 {strides = array<i32>} : memref<640x16xf32, #tpu.memory_space<vmem>>, vector<16xf32>,
      %broadcast_in_dim3A_99 = arith.constant 1 : i32
      %broadcast_in_dim3A_100 = vector.broadcast %broadcast_in_dim3A_99 : i32 to vector<16x1xi32>
      %gather3A_101 = vector.shape_cast %broadcast_in_dim3A_100 : vector<16x1xi32> to vector<16xi32>
      %gather3A_102 = tpu.dynamic_gather %mul3A_85[%gather3A_101] in [0] : vector<16xf32>, vector<16xi32> -> vector<16xf32>
      %mul3A_103 = arith.constant 16 : i32
      %mul3A_104 = arith.muli %scan3A_42, %mul3A_103 : i32
      %add3A_105 = arith.constant 1 : i32
      %add3A_106 = arith.addi %mul3A_104, %add3A_105 : i32
      %get3A_107 = arith.index_cast %add3A_106 : i32 to index
      %get3A_108 = arith.constant 0 : index
      %get3A_109 = tpu.vector_load %arg11[%get3A_107, %get3A_108] {strides = array<i32>} : memref<640x16xf32, #tpu.memory_space<vmem>>, vector<16xf32>,
      %mul3A_110 = arith.mulf %get3A_109, %gather3A_102 : vector<16xf32>
      %swap3A_111 = arith.index_cast %add3A_106 : i32 to index
      %swap3A_112 = arith.constant 0 : index
      %swap3A_113 = tpu.vector_load %arg11[%swap3A_111, %swap3A_112] {strides = array<i32>} : memref<640x16xf32, #tpu.memory_space<vmem>>, vector<16xf32>,
      tpu.vector_store %arg11[%swap3A_111, %swap3A_112], %mul3A_110 {strides = array<i32>} : memref<640x16xf32, #tpu.memory_space<vmem>>, vector<16xf32>,
      %broadcast_in_dim3A_114 = arith.constant 2 : i32
      %broadcast_in_dim3A_115 = vector.broadcast %broadcast_in_dim3A_114 : i32 to vector<16x1xi32>
      %gather3A_116 = vector.shape_cast %broadcast_in_dim3A_115 : vector<16x1xi32> to vector<16xi32>
      %gather3A_117 = tpu.dynamic_gather %mul3A_85[%gather3A_116] in [0] : vector<16xf32>, vector<16xi32> -> vector<16xf32>
      %mul3A_118 = arith.constant 16 : i32
      %mul3A_119 = arith.muli %scan3A_42, %mul3A_118 : i32
      %add3A_120 = arith.constant 2 : i32
      %add3A_121 = arith.addi %mul3A_119, %add3A_120 : i32
      %get3A_122 = arith.index_cast %add3A_121 : i32 to index
      %get3A_123 = arith.constant 0 : index
      %get3A_124 = tpu.vector_load %arg11[%get3A_122, %get3A_123] {strides = array<i32>} : memref<640x16xf32, #tpu.memory_space<vmem>>, vector<16xf32>,
      %mul3A_125 = arith.mulf %get3A_124, %gather3A_117 : vector<16xf32>
      %swap3A_126 = arith.index_cast %add3A_121 : i32 to index
      %swap3A_127 = arith.constant 0 : index
      %swap3A_128 = tpu.vector_load %arg11[%swap3A_126, %swap3A_127] {strides = array<i32>} : memref<640x16xf32, #tpu.memory_space<vmem>>, vector<16xf32>,
      tpu.vector_store %arg11[%swap3A_126, %swap3A_127], %mul3A_125 {strides = array<i32>} : memref<640x16xf32, #tpu.memory_space<vmem>>, vector<16xf32>,
      %broadcast_in_dim3A_129 = arith.constant 3 : i32
      %broadcast_in_dim3A_130 = vector.broadcast %broadcast_in_dim3A_129 : i32 to vector<16x1xi32>
      %gather3A_131 = vector.shape_cast %broadcast_in_dim3A_130 : vector<16x1xi32> to vector<16xi32>
      %gather3A_132 = tpu.dynamic_gather %mul3A_85[%gather3A_131] in [0] : vector<16xf32>, vector<16xi32> -> vector<16xf32>
      %mul3A_133 = arith.constant 16 : i32
      %mul3A_134 = arith.muli %scan3A_42, %mul3A_133 : i32
      %add3A_135 = arith.constant 3 : i32
      %add3A_136 = arith.addi %mul3A_134, %add3A_135 : i32
      %get3A_137 = arith.index_cast %add3A_136 : i32 to index
      %get3A_138 = arith.constant 0 : index
      %get3A_139 = tpu.vector_load %arg11[%get3A_137, %get3A_138] {strides = array<i32>} : memref<640x16xf32, #tpu.memory_space<vmem>>, vector<16xf32>,
      %mul3A_140 = arith.mulf %get3A_139, %gather3A_132 : vector<16xf32>
      %swap3A_141 = arith.index_cast %add3A_136 : i32 to index
      %swap3A_142 = arith.constant 0 : index
      %swap3A_143 = tpu.vector_load %arg11[%swap3A_141, %swap3A_142] {strides = array<i32>} : memref<640x16xf32, #tpu.memory_space<vmem>>, vector<16xf32>,
      tpu.vector_store %arg11[%swap3A_141, %swap3A_142], %mul3A_140 {strides = array<i32>} : memref<640x16xf32, #tpu.memory_space<vmem>>, vector<16xf32>,
      %broadcast_in_dim3A_144 = arith.constant 4 : i32
      %broadcast_in_dim3A_145 = vector.broadcast %broadcast_in_dim3A_144 : i32 to vector<16x1xi32>
      %gather3A_146 = vector.shape_cast %broadcast_in_dim3A_145 : vector<16x1xi32> to vector<16xi32>
      %gather3A_147 = tpu.dynamic_gather %mul3A_85[%gather3A_146] in [0] : vector<16xf32>, vector<16xi32> -> vector<16xf32>
      %mul3A_148 = arith.constant 16 : i32
      %mul3A_149 = arith.muli %scan3A_42, %mul3A_148 : i32
      %add3A_150 = arith.constant 4 : i32
      %add3A_151 = arith.addi %mul3A_149, %add3A_150 : i32
      %get3A_152 = arith.index_cast %add3A_151 : i32 to index
      %get3A_153 = arith.constant 0 : index
      %get3A_154 = tpu.vector_load %arg11[%get3A_152, %get3A_153] {strides = array<i32>} : memref<640x16xf32, #tpu.memory_space<vmem>>, vector<16xf32>,
      %mul3A_155 = arith.mulf %get3A_154, %gather3A_147 : vector<16xf32>
      %swap3A_156 = arith.index_cast %add3A_151 : i32 to index
      %swap3A_157 = arith.constant 0 : index
      %swap3A_158 = tpu.vector_load %arg11[%swap3A_156, %swap3A_157] {strides = array<i32>} : memref<640x16xf32, #tpu.memory_space<vmem>>, vector<16xf32>,
      tpu.vector_store %arg11[%swap3A_156, %swap3A_157], %mul3A_155 {strides = array<i32>} : memref<640x16xf32, #tpu.memory_space<vmem>>, vector<16xf32>,
      %broadcast_in_dim3A_159 = arith.constant 5 : i32
      %broadcast_in_dim3A_160 = vector.broadcast %broadcast_in_dim3A_159 : i32 to vector<16x1xi32>
      %gather3A_161 = vector.shape_cast %broadcast_in_dim3A_160 : vector<16x1xi32> to vector<16xi32>
      %gather3A_162 = tpu.dynamic_gather %mul3A_85[%gather3A_161] in [0] : vector<16xf32>, vector<16xi32> -> vector<16xf32>
      %mul3A_163 = arith.constant 16 : i32
      %mul3A_164 = arith.muli %scan3A_42, %mul3A_163 : i32
      %add3A_165 = arith.constant 5 : i32
      %add3A_166 = arith.addi %mul3A_164, %add3A_165 : i32
      %get3A_167 = arith.index_cast %add3A_166 : i32 to index
      %get3A_168 = arith.constant 0 : index
      %get3A_169 = tpu.vector_load %arg11[%get3A_167, %get3A_168] {strides = array<i32>} : memref<640x16xf32, #tpu.memory_space<vmem>>, vector<16xf32>,
      %mul3A_170 = arith.mulf %get3A_169, %gather3A_162 : vector<16xf32>
      %swap3A_171 = arith.index_cast %add3A_166 : i32 to index
      %swap3A_172 = arith.constant 0 : index
      %swap3A_173 = tpu.vector_load %arg11[%swap3A_171, %swap3A_172] {strides = array<i32>} : memref<640x16xf32, #tpu.memory_space<vmem>>, vector<16xf32>,
      tpu.vector_store %arg11[%swap3A_171, %swap3A_172], %mul3A_170 {strides = array<i32>} : memref<640x16xf32, #tpu.memory_space<vmem>>, vector<16xf32>,
      %broadcast_in_dim3A_174 = arith.constant 6 : i32
      %broadcast_in_dim3A_175 = vector.broadcast %broadcast_in_dim3A_174 : i32 to vector<16x1xi32>
      %gather3A_176 = vector.shape_cast %broadcast_in_dim3A_175 : vector<16x1xi32> to vector<16xi32>
      %gather3A_177 = tpu.dynamic_gather %mul3A_85[%gather3A_176] in [0] : vector<16xf32>, vector<16xi32> -> vector<16xf32>
      %mul3A_178 = arith.constant 16 : i32
      %mul3A_179 = arith.muli %scan3A_42, %mul3A_178 : i32
      %add3A_180 = arith.constant 6 : i32
      %add3A_181 = arith.addi %mul3A_179, %add3A_180 : i32
      %get3A_182 = arith.index_cast %add3A_181 : i32 to index
      %get3A_183 = arith.constant 0 : index
      %get3A_184 = tpu.vector_load %arg11[%get3A_182, %get3A_183] {strides = array<i32>} : memref<640x16xf32, #tpu.memory_space<vmem>>, vector<16xf32>,
      %mul3A_185 = arith.mulf %get3A_184, %gather3A_177 : vector<16xf32>
      %swap3A_186 = arith.index_cast %add3A_181 : i32 to index
      %swap3A_187 = arith.constant 0 : index
      %swap3A_188 = tpu.vector_load %arg11[%swap3A_186, %swap3A_187] {strides = array<i32>} : memref<640x16xf32, #tpu.memory_space<vmem>>, vector<16xf32>,
      tpu.vector_store %arg11[%swap3A_186, %swap3A_187], %mul3A_185 {strides = array<i32>} : memref<640x16xf32, #tpu.memory_space<vmem>>, vector<16xf32>,
      %broadcast_in_dim3A_189 = arith.constant 7 : i32
      %broadcast_in_dim3A_190 = vector.broadcast %broadcast_in_dim3A_189 : i32 to vector<16x1xi32>
      %gather3A_191 = vector.shape_cast %broadcast_in_dim3A_190 : vector<16x1xi32> to vector<16xi32>
      %gather3A_192 = tpu.dynamic_gather %mul3A_85[%gather3A_191] in [0] : vector<16xf32>, vector<16xi32> -> vector<16xf32>
      %mul3A_193 = arith.constant 16 : i32
      %mul3A_194 = arith.muli %scan3A_42, %mul3A_193 : i32
      %add3A_195 = arith.constant 7 : i32
      %add3A_196 = arith.addi %mul3A_194, %add3A_195 : i32
      %get3A_197 = arith.index_cast %add3A_196 : i32 to index
      %get3A_198 = arith.constant 0 : index
      %get3A_199 = tpu.vector_load %arg11[%get3A_197, %get3A_198] {strides = array<i32>} : memref<640x16xf32, #tpu.memory_space<vmem>>, vector<16xf32>,
      %mul3A_200 = arith.mulf %get3A_199, %gather3A_192 : vector<16xf32>
      %swap3A_201 = arith.index_cast %add3A_196 : i32 to index
      %swap3A_202 = arith.constant 0 : index
      %swap3A_203 = tpu.vector_load %arg11[%swap3A_201, %swap3A_202] {strides = array<i32>} : memref<640x16xf32, #tpu.memory_space<vmem>>, vector<16xf32>,
      tpu.vector_store %arg11[%swap3A_201, %swap3A_202], %mul3A_200 {strides = array<i32>} : memref<640x16xf32, #tpu.memory_space<vmem>>, vector<16xf32>,
      %broadcast_in_dim3A_204 = arith.constant 8 : i32
      %broadcast_in_dim3A_205 = vector.broadcast %broadcast_in_dim3A_204 : i32 to vector<16x1xi32>
      %gather3A_206 = vector.shape_cast %broadcast_in_dim3A_205 : vector<16x1xi32> to vector<16xi32>
      %gather3A_207 = tpu.dynamic_gather %mul3A_85[%gather3A_206] in [0] : vector<16xf32>, vector<16xi32> -> vector<16xf32>
      %mul3A_208 = arith.constant 16 : i32
      %mul3A_209 = arith.muli %scan3A_42, %mul3A_208 : i32
      %add3A_210 = arith.constant 8 : i32
      %add3A_211 = arith.addi %mul3A_209, %add3A_210 : i32
      %get3A_212 = arith.index_cast %add3A_211 : i32 to index
      %get3A_213 = arith.constant 0 : index
      %get3A_214 = tpu.vector_load %arg11[%get3A_212, %get3A_213] {strides = array<i32>} : memref<640x16xf32, #tpu.memory_space<vmem>>, vector<16xf32>,
      %mul3A_215 = arith.mulf %get3A_214, %gather3A_207 : vector<16xf32>
      %swap3A_216 = arith.index_cast %add3A_211 : i32 to index
      %swap3A_217 = arith.constant 0 : index
      %swap3A_218 = tpu.vector_load %arg11[%swap3A_216, %swap3A_217] {strides = array<i32>} : memref<640x16xf32, #tpu.memory_space<vmem>>, vector<16xf32>,
      tpu.vector_store %arg11[%swap3A_216, %swap3A_217], %mul3A_215 {strides = array<i32>} : memref<640x16xf32, #tpu.memory_space<vmem>>, vector<16xf32>,
      %broadcast_in_dim3A_219 = arith.constant 9 : i32
      %broadcast_in_dim3A_220 = vector.broadcast %broadcast_in_dim3A_219 : i32 to vector<16x1xi32>
      %gather3A_221 = vector.shape_cast %broadcast_in_dim3A_220 : vector<16x1xi32> to vector<16xi32>
      %gather3A_222 = tpu.dynamic_gather %mul3A_85[%gather3A_221] in [0] : vector<16xf32>, vector<16xi32> -> vector<16xf32>
      %mul3A_223 = arith.constant 16 : i32
      %mul3A_224 = arith.muli %scan3A_42, %mul3A_223 : i32
      %add3A_225 = arith.constant 9 : i32
      %add3A_226 = arith.addi %mul3A_224, %add3A_225 : i32
      %get3A_227 = arith.index_cast %add3A_226 : i32 to index
      %get3A_228 = arith.constant 0 : index
      %get3A_229 = tpu.vector_load %arg11[%get3A_227, %get3A_228] {strides = array<i32>} : memref<640x16xf32, #tpu.memory_space<vmem>>, vector<16xf32>,
      %mul3A_230 = arith.mulf %get3A_229, %gather3A_222 : vector<16xf32>
      %swap3A_231 = arith.index_cast %add3A_226 : i32 to index
      %swap3A_232 = arith.constant 0 : index
      %swap3A_233 = tpu.vector_load %arg11[%swap3A_231, %swap3A_232] {strides = array<i32>} : memref<640x16xf32, #tpu.memory_space<vmem>>, vector<16xf32>,
      tpu.vector_store %arg11[%swap3A_231, %swap3A_232], %mul3A_230 {strides = array<i32>} : memref<640x16xf32, #tpu.memory_space<vmem>>, vector<16xf32>,
      %broadcast_in_dim3A_234 = arith.constant 10 : i32
      %broadcast_in_dim3A_235 = vector.broadcast %broadcast_in_dim3A_234 : i32 to vector<16x1xi32>
      %gather3A_236 = vector.shape_cast %broadcast_in_dim3A_235 : vector<16x1xi32> to vector<16xi32>
      %gather3A_237 = tpu.dynamic_gather %mul3A_85[%gather3A_236] in [0] : vector<16xf32>, vector<16xi32> -> vector<16xf32>
      %mul3A_238 = arith.constant 16 : i32
      %mul3A_239 = arith.muli %scan3A_42, %mul3A_238 : i32
      %add3A_240 = arith.constant 10 : i32
      %add3A_241 = arith.addi %mul3A_239, %add3A_240 : i32
      %get3A_242 = arith.index_cast %add3A_241 : i32 to index
      %get3A_243 = arith.constant 0 : index
      %get3A_244 = tpu.vector_load %arg11[%get3A_242, %get3A_243] {strides = array<i32>} : memref<640x16xf32, #tpu.memory_space<vmem>>, vector<16xf32>,
      %mul3A_245 = arith.mulf %get3A_244, %gather3A_237 : vector<16xf32>
      %swap3A_246 = arith.index_cast %add3A_241 : i32 to index
      %swap3A_247 = arith.constant 0 : index
      %swap3A_248 = tpu.vector_load %arg11[%swap3A_246, %swap3A_247] {strides = array<i32>} : memref<640x16xf32, #tpu.memory_space<vmem>>, vector<16xf32>,
      tpu.vector_store %arg11[%swap3A_246, %swap3A_247], %mul3A_245 {strides = array<i32>} : memref<640x16xf32, #tpu.memory_space<vmem>>, vector<16xf32>,
      %broadcast_in_dim3A_249 = arith.constant 11 : i32
      %broadcast_in_dim3A_250 = vector.broadcast %broadcast_in_dim3A_249 : i32 to vector<16x1xi32>
      %gather3A_251 = vector.shape_cast %broadcast_in_dim3A_250 : vector<16x1xi32> to vector<16xi32>
      %gather3A_252 = tpu.dynamic_gather %mul3A_85[%gather3A_251] in [0] : vector<16xf32>, vector<16xi32> -> vector<16xf32>
      %mul3A_253 = arith.constant 16 : i32
      %mul3A_254 = arith.muli %scan3A_42, %mul3A_253 : i32
      %add3A_255 = arith.constant 11 : i32
      %add3A_256 = arith.addi %mul3A_254, %add3A_255 : i32
      %get3A_257 = arith.index_cast %add3A_256 : i32 to index
      %get3A_258 = arith.constant 0 : index
      %get3A_259 = tpu.vector_load %arg11[%get3A_257, %get3A_258] {strides = array<i32>} : memref<640x16xf32, #tpu.memory_space<vmem>>, vector<16xf32>,
      %mul3A_260 = arith.mulf %get3A_259, %gather3A_252 : vector<16xf32>
      %swap3A_261 = arith.index_cast %add3A_256 : i32 to index
      %swap3A_262 = arith.constant 0 : index
      %swap3A_263 = tpu.vector_load %arg11[%swap3A_261, %swap3A_262] {strides = array<i32>} : memref<640x16xf32, #tpu.memory_space<vmem>>, vector<16xf32>,
      tpu.vector_store %arg11[%swap3A_261, %swap3A_262], %mul3A_260 {strides = array<i32>} : memref<640x16xf32, #tpu.memory_space<vmem>>, vector<16xf32>,
      %broadcast_in_dim3A_264 = arith.constant 12 : i32
      %broadcast_in_dim3A_265 = vector.broadcast %broadcast_in_dim3A_264 : i32 to vector<16x1xi32>
      %gather3A_266 = vector.shape_cast %broadcast_in_dim3A_265 : vector<16x1xi32> to vector<16xi32>
      %gather3A_267 = tpu.dynamic_gather %mul3A_85[%gather3A_266] in [0] : vector<16xf32>, vector<16xi32> -> vector<16xf32>
      %mul3A_268 = arith.constant 16 : i32
      %mul3A_269 = arith.muli %scan3A_42, %mul3A_268 : i32
      %add3A_270 = arith.constant 12 : i32
      %add3A_271 = arith.addi %mul3A_269, %add3A_270 : i32
      %get3A_272 = arith.index_cast %add3A_271 : i32 to index
      %get3A_273 = arith.constant 0 : index
      %get3A_274 = tpu.vector_load %arg11[%get3A_272, %get3A_273] {strides = array<i32>} : memref<640x16xf32, #tpu.memory_space<vmem>>, vector<16xf32>,
      %mul3A_275 = arith.mulf %get3A_274, %gather3A_267 : vector<16xf32>
      %swap3A_276 = arith.index_cast %add3A_271 : i32 to index
      %swap3A_277 = arith.constant 0 : index
      %swap3A_278 = tpu.vector_load %arg11[%swap3A_276, %swap3A_277] {strides = array<i32>} : memref<640x16xf32, #tpu.memory_space<vmem>>, vector<16xf32>,
      tpu.vector_store %arg11[%swap3A_276, %swap3A_277], %mul3A_275 {strides = array<i32>} : memref<640x16xf32, #tpu.memory_space<vmem>>, vector<16xf32>,
      %broadcast_in_dim3A_279 = arith.constant 13 : i32
      %broadcast_in_dim3A_280 = vector.broadcast %broadcast_in_dim3A_279 : i32 to vector<16x1xi32>
      %gather3A_281 = vector.shape_cast %broadcast_in_dim3A_280 : vector<16x1xi32> to vector<16xi32>
      %gather3A_282 = tpu.dynamic_gather %mul3A_85[%gather3A_281] in [0] : vector<16xf32>, vector<16xi32> -> vector<16xf32>
      %mul3A_283 = arith.constant 16 : i32
      %mul3A_284 = arith.muli %scan3A_42, %mul3A_283 : i32
      %add3A_285 = arith.constant 13 : i32
      %add3A_286 = arith.addi %mul3A_284, %add3A_285 : i32
      %get3A_287 = arith.index_cast %add3A_286 : i32 to index
      %get3A_288 = arith.constant 0 : index
      %get3A_289 = tpu.vector_load %arg11[%get3A_287, %get3A_288] {strides = array<i32>} : memref<640x16xf32, #tpu.memory_space<vmem>>, vector<16xf32>,
      %mul3A_290 = arith.mulf %get3A_289, %gather3A_282 : vector<16xf32>
      %swap3A_291 = arith.index_cast %add3A_286 : i32 to index
      %swap3A_292 = arith.constant 0 : index
      %swap3A_293 = tpu.vector_load %arg11[%swap3A_291, %swap3A_292] {strides = array<i32>} : memref<640x16xf32, #tpu.memory_space<vmem>>, vector<16xf32>,
      tpu.vector_store %arg11[%swap3A_291, %swap3A_292], %mul3A_290 {strides = array<i32>} : memref<640x16xf32, #tpu.memory_space<vmem>>, vector<16xf32>,
      %broadcast_in_dim3A_294 = arith.constant 14 : i32
      %broadcast_in_dim3A_295 = vector.broadcast %broadcast_in_dim3A_294 : i32 to vector<16x1xi32>
      %gather3A_296 = vector.shape_cast %broadcast_in_dim3A_295 : vector<16x1xi32> to vector<16xi32>
      %gather3A_297 = tpu.dynamic_gather %mul3A_85[%gather3A_296] in [0] : vector<16xf32>, vector<16xi32> -> vector<16xf32>
      %mul3A_298 = arith.constant 16 : i32
      %mul3A_299 = arith.muli %scan3A_42, %mul3A_298 : i32
      %add3A_300 = arith.constant 14 : i32
      %add3A_301 = arith.addi %mul3A_299, %add3A_300 : i32
      %get3A_302 = arith.index_cast %add3A_301 : i32 to index
      %get3A_303 = arith.constant 0 : index
      %get3A_304 = tpu.vector_load %arg11[%get3A_302, %get3A_303] {strides = array<i32>} : memref<640x16xf32, #tpu.memory_space<vmem>>, vector<16xf32>,
      %mul3A_305 = arith.mulf %get3A_304, %gather3A_297 : vector<16xf32>
      %swap3A_306 = arith.index_cast %add3A_301 : i32 to index
      %swap3A_307 = arith.constant 0 : index
      %swap3A_308 = tpu.vector_load %arg11[%swap3A_306, %swap3A_307] {strides = array<i32>} : memref<640x16xf32, #tpu.memory_space<vmem>>, vector<16xf32>,
      tpu.vector_store %arg11[%swap3A_306, %swap3A_307], %mul3A_305 {strides = array<i32>} : memref<640x16xf32, #tpu.memory_space<vmem>>, vector<16xf32>,
      %broadcast_in_dim3A_309 = arith.constant 15 : i32
      %broadcast_in_dim3A_310 = vector.broadcast %broadcast_in_dim3A_309 : i32 to vector<16x1xi32>
      %gather3A_311 = vector.shape_cast %broadcast_in_dim3A_310 : vector<16x1xi32> to vector<16xi32>
      %gather3A_312 = tpu.dynamic_gather %mul3A_85[%gather3A_311] in [0] : vector<16xf32>, vector<16xi32> -> vector<16xf32>
      %mul3A_313 = arith.constant 16 : i32
      %mul3A_314 = arith.muli %scan3A_42, %mul3A_313 : i32
      %add3A_315 = arith.constant 15 : i32
      %add3A_316 = arith.addi %mul3A_314, %add3A_315 : i32
      %get3A_317 = arith.index_cast %add3A_316 : i32 to index
      %get3A_318 = arith.constant 0 : index
      %get3A_319 = tpu.vector_load %arg11[%get3A_317, %get3A_318] {strides = array<i32>} : memref<640x16xf32, #tpu.memory_space<vmem>>, vector<16xf32>,
      %mul3A_320 = arith.mulf %get3A_319, %gather3A_312 : vector<16xf32>
      %swap3A_321 = arith.index_cast %add3A_316 : i32 to index
      %swap3A_322 = arith.constant 0 : index
      %swap3A_323 = tpu.vector_load %arg11[%swap3A_321, %swap3A_322] {strides = array<i32>} : memref<640x16xf32, #tpu.memory_space<vmem>>, vector<16xf32>,
      tpu.vector_store %arg11[%swap3A_321, %swap3A_322], %mul3A_320 {strides = array<i32>} : memref<640x16xf32, #tpu.memory_space<vmem>>, vector<16xf32>,
    }
    %scan3A_10 = arith.constant 40 : i32
    "tpu.region"() ({
      %run_scoped3A = tpu.sem_alloc : memref<!tpu.dma_semaphore, #tpu.memory_space<semaphore_mem>>
      %dma_start3A_42 = arith.constant 0 : i32
      %dma_start3A_43 = tpu.memref_slice %arg19[%mul3A_3, %dma_start3A_42] : memref<10240x16xf32, #tpu.memory_space<vmem_shared>> -> memref<640x16xf32, #tpu.memory_space<vmem_shared>>
      %dma_start3A_44 = arith.constant 0 : i32
      %dma_start3A_45 = tpu.memref_slice %arg19[%mul3A_3, %dma_start3A_44] : memref<10240x16xf32, #tpu.memory_space<vmem_shared>> -> memref<640x16xf32, #tpu.memory_space<vmem_shared>>
      tpu.enqueue_dma source(%arg11 : memref<640x16xf32, #tpu.memory_space<vmem>>) target(%dma_start3A_45 : memref<640x16xf32, #tpu.memory_space<vmem_shared>>) target_semaphore(%run_scoped3A : memref<!tpu.dma_semaphore, #tpu.memory_space<semaphore_mem>>)
      %dma_wait3A_46 = arith.constant 0 : i32
      %dma_wait3A_47 = tpu.memref_slice %arg19[%mul3A_3, %dma_wait3A_46] : memref<10240x16xf32, #tpu.memory_space<vmem_shared>> -> memref<640x16xf32, #tpu.memory_space<vmem_shared>>
      %dma_wait3A_48 = arith.constant 0 : i32
      %dma_wait3A_49 = tpu.memref_slice %arg19[%mul3A_3, %dma_wait3A_48] : memref<10240x16xf32, #tpu.memory_space<vmem_shared>> -> memref<640x16xf32, #tpu.memory_space<vmem_shared>>
      tpu.wait_dma2 semaphore(%run_scoped3A : memref<!tpu.dma_semaphore, #tpu.memory_space<semaphore_mem>>) src(%arg11 : memref<640x16xf32, #tpu.memory_space<vmem>>) dst(%dma_wait3A_49 : memref<640x16xf32, #tpu.memory_space<vmem_shared>>)
      tpu.yield
    }) : () -> ()
    %scan3A_11 = arith.constant 0 : i32
    %scan3A_12 = arith.constant 0 : i32
    %scan3A_13 = arith.constant 640 : i32
    %scan3A_14 = arith.addi %scan3A_12, %scan3A_13 : i32
    %scan3A_15 = arith.constant 1 : i32
    scf.for %scan3A_42 = %scan3A_12 to %scan3A_14 step %scan3A_15  : i32 {
      %swap3A = arith.index_cast %scan3A_42 : i32 to index
      %swap3A_43 = arith.constant 0 : index
      %swap3A_44 = tpu.vector_load %arg11[%swap3A, %swap3A_43] {strides = array<i32>} : memref<640x16xf32, #tpu.memory_space<vmem>>, vector<16xf32>,
      tpu.vector_store %arg11[%swap3A, %swap3A_43], %broadcast_in_dim3A_1 {strides = array<i32>} : memref<640x16xf32, #tpu.memory_space<vmem>>, vector<16xf32>,
    }
    %scan3A_16 = arith.constant 640 : i32
    %mul3A_17 = arith.constant 640 : i32
    %mul3A_18 = arith.muli %arg1, %mul3A_17 : i32
    "tpu.region"() ({
      %run_scoped3A = tpu.sem_alloc : memref<!tpu.dma_semaphore, #tpu.memory_space<semaphore_mem>>
      %dma_start3A_42 = arith.constant 0 : i32
      %dma_start3A_43 = tpu.memref_slice %arg18[%mul3A_18, %dma_start3A_42] : memref<10240x16xf32, #tpu.memory_space<vmem_shared>> -> memref<640x16xf32, #tpu.memory_space<vmem_shared>>
      %dma_start3A_44 = arith.constant 0 : i32
      %dma_start3A_45 = tpu.memref_slice %arg18[%mul3A_18, %dma_start3A_44] : memref<10240x16xf32, #tpu.memory_space<vmem_shared>> -> memref<640x16xf32, #tpu.memory_space<vmem_shared>>
      tpu.enqueue_dma source(%arg11 : memref<640x16xf32, #tpu.memory_space<vmem>>) target(%dma_start3A_45 : memref<640x16xf32, #tpu.memory_space<vmem_shared>>) target_semaphore(%run_scoped3A : memref<!tpu.dma_semaphore, #tpu.memory_space<semaphore_mem>>)
      %dma_wait3A_46 = arith.constant 0 : i32
      %dma_wait3A_47 = tpu.memref_slice %arg18[%mul3A_18, %dma_wait3A_46] : memref<10240x16xf32, #tpu.memory_space<vmem_shared>> -> memref<640x16xf32, #tpu.memory_space<vmem_shared>>
      %dma_wait3A_48 = arith.constant 0 : i32
      %dma_wait3A_49 = tpu.memref_slice %arg18[%mul3A_18, %dma_wait3A_48] : memref<10240x16xf32, #tpu.memory_space<vmem_shared>> -> memref<640x16xf32, #tpu.memory_space<vmem_shared>>
      tpu.wait_dma2 semaphore(%run_scoped3A : memref<!tpu.dma_semaphore, #tpu.memory_space<semaphore_mem>>) src(%arg11 : memref<640x16xf32, #tpu.memory_space<vmem>>) dst(%dma_wait3A_49 : memref<640x16xf32, #tpu.memory_space<vmem_shared>>)
      tpu.yield
    }) : () -> ()
    %barrier3A = arith.constant 0 : index
    tpu.barrier barrier_id(%barrier3A)
    %dma_start3A = arith.constant 0 : i32
    %dma_start3A_19 = arith.constant 0 : i32
    %dma_start3A_20 = tpu.memref_slice %arg7[%dma_start3A, %dma_start3A_19] : memref<80x128xi32, #tpu.memory_space<vmem>> -> memref<1x128xi32, #tpu.memory_space<vmem>>
    %dma_start3A_21 = tpu.memref_squeeze %dma_start3A_20 : memref<1x128xi32, #tpu.memory_space<vmem>> -> memref<128xi32, #tpu.memory_space<vmem>>
    %dma_start3A_22 = arith.constant 0 : i32
    %dma_start3A_23 = arith.constant 0 : i32
    %dma_start3A_24 = tpu.memref_slice %arg19[%dma_start3A_22, %dma_start3A_23] : memref<10240x16xf32, #tpu.memory_space<vmem_shared>> -> memref<10240x16xf32, #tpu.memory_space<vmem_shared>>
    tpu.enqueue_indirect_dma source(%dma_start3A_24 : memref<10240x16xf32, #tpu.memory_space<vmem_shared>>) target(%arg9 : memref<128x16xf32, #tpu.memory_space<vmem>>) offsets(%dma_start3A_21 : memref<128xi32, #tpu.memory_space<vmem>>) semaphore(%arg14 : memref<!tpu.dma_semaphore, #tpu.memory_space<semaphore_mem>>)
    %scan3A_25 = arith.constant 0 : i32
    %scan3A_26 = arith.constant 0 : i32
    %scan3A_27 = arith.constant 40 : i32
    %scan3A_28 = arith.addi %scan3A_26, %scan3A_27 : i32
    %scan3A_29 = arith.constant 1 : i32
    scf.for %scan3A_42 = %scan3A_26 to %scan3A_28 step %scan3A_29  : i32 {
      %mul3A_43 = arith.constant 2 : i32
      %mul3A_44 = arith.muli %mul3A_43, %scan3A_42 : i32
      %dma_wait3A_45 = arith.constant 0 : i32
      %dma_wait3A_46 = tpu.memref_slice %arg7[%mul3A_44, %dma_wait3A_45] : memref<80x128xi32, #tpu.memory_space<vmem>> -> memref<1x128xi32, #tpu.memory_space<vmem>>
      %dma_wait3A_47 = tpu.memref_squeeze %dma_wait3A_46 : memref<1x128xi32, #tpu.memory_space<vmem>> -> memref<128xi32, #tpu.memory_space<vmem>>
      %dma_wait3A_48 = arith.constant 0 : i32
      %dma_wait3A_49 = arith.constant 0 : i32
      %dma_wait3A_50 = tpu.memref_slice %arg19[%dma_wait3A_48, %dma_wait3A_49] : memref<10240x16xf32, #tpu.memory_space<vmem_shared>> -> memref<10240x16xf32, #tpu.memory_space<vmem_shared>>
      tpu.wait_indirect_dma semaphore(%arg14 : memref<!tpu.dma_semaphore, #tpu.memory_space<semaphore_mem>>) src(%dma_wait3A_50 : memref<10240x16xf32, #tpu.memory_space<vmem_shared>>) dst(%arg9 : memref<128x16xf32, #tpu.memory_space<vmem>>)
      %gt3A = arith.constant 0 : i32
      %gt3A_51 = arith.cmpi sgt, %scan3A_42, %gt3A : i32
      %convert_element_type3A = arith.extui %gt3A_51 : i1 to i32
      %cond3A = arith.constant 0 : i32
      %cond3A_52 = arith.cmpi ne, %convert_element_type3A, %cond3A : i32
      scf.if %cond3A_52 {
        %sub3A = arith.constant 1 : i32
        %sub3A_93 = arith.subi %mul3A_44, %sub3A : i32
        %dma_wait3A_94 = arith.constant 0 : i32
        %dma_wait3A_95 = tpu.memref_slice %arg8[%sub3A_93, %dma_wait3A_94] : memref<80x128xi32, #tpu.memory_space<vmem>> -> memref<1x128xi32, #tpu.memory_space<vmem>>
        %dma_wait3A_96 = tpu.memref_squeeze %dma_wait3A_95 : memref<1x128xi32, #tpu.memory_space<vmem>> -> memref<128xi32, #tpu.memory_space<vmem>>
        %dma_wait3A_97 = arith.constant 0 : i32
        %dma_wait3A_98 = arith.constant 0 : i32
        %dma_wait3A_99 = tpu.memref_slice %arg18[%dma_wait3A_97, %dma_wait3A_98] : memref<10240x16xf32, #tpu.memory_space<vmem_shared>> -> memref<10240x16xf32, #tpu.memory_space<vmem_shared>>
        tpu.wait_indirect_dma semaphore(%arg17 : memref<!tpu.dma_semaphore, #tpu.memory_space<semaphore_mem>>) src(%arg10 : memref<128x16xf32, #tpu.memory_space<vmem>>) dst(%dma_wait3A_99 : memref<10240x16xf32, #tpu.memory_space<vmem_shared>>)
      } else {
      }
      %add3A_53 = arith.constant 1 : i32
      %add3A_54 = arith.addi %mul3A_44, %add3A_53 : i32
      %dma_start3A_55 = arith.constant 0 : i32
      %dma_start3A_56 = tpu.memref_slice %arg7[%add3A_54, %dma_start3A_55] : memref<80x128xi32, #tpu.memory_space<vmem>> -> memref<1x128xi32, #tpu.memory_space<vmem>>
      %dma_start3A_57 = tpu.memref_squeeze %dma_start3A_56 : memref<1x128xi32, #tpu.memory_space<vmem>> -> memref<128xi32, #tpu.memory_space<vmem>>
      %dma_start3A_58 = arith.constant 0 : i32
      %dma_start3A_59 = arith.constant 0 : i32
      %dma_start3A_60 = tpu.memref_slice %arg19[%dma_start3A_58, %dma_start3A_59] : memref<10240x16xf32, #tpu.memory_space<vmem_shared>> -> memref<10240x16xf32, #tpu.memory_space<vmem_shared>>
      tpu.enqueue_indirect_dma source(%dma_start3A_60 : memref<10240x16xf32, #tpu.memory_space<vmem_shared>>) target(%arg10 : memref<128x16xf32, #tpu.memory_space<vmem>>) offsets(%dma_start3A_57 : memref<128xi32, #tpu.memory_space<vmem>>) semaphore(%arg15 : memref<!tpu.dma_semaphore, #tpu.memory_space<semaphore_mem>>)
      %dma_start3A_61 = arith.constant 0 : i32
      %dma_start3A_62 = tpu.memref_slice %arg8[%mul3A_44, %dma_start3A_61] : memref<80x128xi32, #tpu.memory_space<vmem>> -> memref<1x128xi32, #tpu.memory_space<vmem>>
      %dma_start3A_63 = tpu.memref_squeeze %dma_start3A_62 : memref<1x128xi32, #tpu.memory_space<vmem>> -> memref<128xi32, #tpu.memory_space<vmem>>
      %dma_start3A_64 = arith.constant 0 : i32
      %dma_start3A_65 = arith.constant 0 : i32
      %dma_start3A_66 = tpu.memref_slice %arg18[%dma_start3A_64, %dma_start3A_65] : memref<10240x16xf32, #tpu.memory_space<vmem_shared>> -> memref<10240x16xf32, #tpu.memory_space<vmem_shared>>
      tpu.enqueue_indirect_dma source(%arg9 : memref<128x16xf32, #tpu.memory_space<vmem>>) target(%dma_start3A_66 : memref<10240x16xf32, #tpu.memory_space<vmem_shared>>) offsets(%dma_start3A_63 : memref<128xi32, #tpu.memory_space<vmem>>) semaphore(%arg16 : memref<!tpu.dma_semaphore, #tpu.memory_space<semaphore_mem>>) {add = true}
      %add3A_67 = arith.constant 1 : i32
      %add3A_68 = arith.addi %mul3A_44, %add3A_67 : i32
      %dma_wait3A_69 = arith.constant 0 : i32
      %dma_wait3A_70 = tpu.memref_slice %arg7[%add3A_68, %dma_wait3A_69] : memref<80x128xi32, #tpu.memory_space<vmem>> -> memref<1x128xi32, #tpu.memory_space<vmem>>
      %dma_wait3A_71 = tpu.memref_squeeze %dma_wait3A_70 : memref<1x128xi32, #tpu.memory_space<vmem>> -> memref<128xi32, #tpu.memory_space<vmem>>
      %dma_wait3A_72 = arith.constant 0 : i32
      %dma_wait3A_73 = arith.constant 0 : i32
      %dma_wait3A_74 = tpu.memref_slice %arg19[%dma_wait3A_72, %dma_wait3A_73] : memref<10240x16xf32, #tpu.memory_space<vmem_shared>> -> memref<10240x16xf32, #tpu.memory_space<vmem_shared>>
      tpu.wait_indirect_dma semaphore(%arg15 : memref<!tpu.dma_semaphore, #tpu.memory_space<semaphore_mem>>) src(%dma_wait3A_74 : memref<10240x16xf32, #tpu.memory_space<vmem_shared>>) dst(%arg10 : memref<128x16xf32, #tpu.memory_space<vmem>>)
      %dma_wait3A_75 = arith.constant 0 : i32
      %dma_wait3A_76 = tpu.memref_slice %arg8[%mul3A_44, %dma_wait3A_75] : memref<80x128xi32, #tpu.memory_space<vmem>> -> memref<1x128xi32, #tpu.memory_space<vmem>>
      %dma_wait3A_77 = tpu.memref_squeeze %dma_wait3A_76 : memref<1x128xi32, #tpu.memory_space<vmem>> -> memref<128xi32, #tpu.memory_space<vmem>>
      %dma_wait3A_78 = arith.constant 0 : i32
      %dma_wait3A_79 = arith.constant 0 : i32
      %dma_wait3A_80 = tpu.memref_slice %arg18[%dma_wait3A_78, %dma_wait3A_79] : memref<10240x16xf32, #tpu.memory_space<vmem_shared>> -> memref<10240x16xf32, #tpu.memory_space<vmem_shared>>
      tpu.wait_indirect_dma semaphore(%arg16 : memref<!tpu.dma_semaphore, #tpu.memory_space<semaphore_mem>>) src(%arg9 : memref<128x16xf32, #tpu.memory_space<vmem>>) dst(%dma_wait3A_80 : memref<10240x16xf32, #tpu.memory_space<vmem_shared>>)
      %lt3A = arith.constant 39 : i32
      %lt3A_81 = arith.cmpi slt, %scan3A_42, %lt3A : i32
      %convert_element_type3A_82 = arith.extui %lt3A_81 : i1 to i32
      %cond3A_83 = arith.constant 0 : i32
      %cond3A_84 = arith.cmpi ne, %convert_element_type3A_82, %cond3A_83 : i32
      scf.if %cond3A_84 {
        %add3A_93 = arith.constant 2 : i32
        %add3A_94 = arith.addi %mul3A_44, %add3A_93 : i32
        %dma_start3A_95 = arith.constant 0 : i32
        %dma_start3A_96 = tpu.memref_slice %arg7[%add3A_94, %dma_start3A_95] : memref<80x128xi32, #tpu.memory_space<vmem>> -> memref<1x128xi32, #tpu.memory_space<vmem>>
        %dma_start3A_97 = tpu.memref_squeeze %dma_start3A_96 : memref<1x128xi32, #tpu.memory_space<vmem>> -> memref<128xi32, #tpu.memory_space<vmem>>
        %dma_start3A_98 = arith.constant 0 : i32
        %dma_start3A_99 = arith.constant 0 : i32
        %dma_start3A_100 = tpu.memref_slice %arg19[%dma_start3A_98, %dma_start3A_99] : memref<10240x16xf32, #tpu.memory_space<vmem_shared>> -> memref<10240x16xf32, #tpu.memory_space<vmem_shared>>
        tpu.enqueue_indirect_dma source(%dma_start3A_100 : memref<10240x16xf32, #tpu.memory_space<vmem_shared>>) target(%arg9 : memref<128x16xf32, #tpu.memory_space<vmem>>) offsets(%dma_start3A_97 : memref<128xi32, #tpu.memory_space<vmem>>) semaphore(%arg14 : memref<!tpu.dma_semaphore, #tpu.memory_space<semaphore_mem>>)
      } else {
      }
      %add3A_85 = arith.constant 1 : i32
      %add3A_86 = arith.addi %mul3A_44, %add3A_85 : i32
      %dma_start3A_87 = arith.constant 0 : i32
      %dma_start3A_88 = tpu.memref_slice %arg8[%add3A_86, %dma_start3A_87] : memref<80x128xi32, #tpu.memory_space<vmem>> -> memref<1x128xi32, #tpu.memory_space<vmem>>
      %dma_start3A_89 = tpu.memref_squeeze %dma_start3A_88 : memref<1x128xi32, #tpu.memory_space<vmem>> -> memref<128xi32, #tpu.memory_space<vmem>>
      %dma_start3A_90 = arith.constant 0 : i32
      %dma_start3A_91 = arith.constant 0 : i32
      %dma_start3A_92 = tpu.memref_slice %arg18[%dma_start3A_90, %dma_start3A_91] : memref<10240x16xf32, #tpu.memory_space<vmem_shared>> -> memref<10240x16xf32, #tpu.memory_space<vmem_shared>>
      tpu.enqueue_indirect_dma source(%arg10 : memref<128x16xf32, #tpu.memory_space<vmem>>) target(%dma_start3A_92 : memref<10240x16xf32, #tpu.memory_space<vmem_shared>>) offsets(%dma_start3A_89 : memref<128xi32, #tpu.memory_space<vmem>>) semaphore(%arg17 : memref<!tpu.dma_semaphore, #tpu.memory_space<semaphore_mem>>) {add = true}
    }
    %scan3A_30 = arith.constant 40 : i32
    %dma_wait3A = arith.constant 79 : i32
    %dma_wait3A_31 = arith.constant 0 : i32
    %dma_wait3A_32 = tpu.memref_slice %arg8[%dma_wait3A, %dma_wait3A_31] : memref<80x128xi32, #tpu.memory_space<vmem>> -> memref<1x128xi32, #tpu.memory_space<vmem>>
    %dma_wait3A_33 = tpu.memref_squeeze %dma_wait3A_32 : memref<1x128xi32, #tpu.memory_space<vmem>> -> memref<128xi32, #tpu.memory_space<vmem>>
    %dma_wait3A_34 = arith.constant 0 : i32
    %dma_wait3A_35 = arith.constant 0 : i32
    %dma_wait3A_36 = tpu.memref_slice %arg18[%dma_wait3A_34, %dma_wait3A_35] : memref<10240x16xf32, #tpu.memory_space<vmem_shared>> -> memref<10240x16xf32, #tpu.memory_space<vmem_shared>>
    tpu.wait_indirect_dma semaphore(%arg17 : memref<!tpu.dma_semaphore, #tpu.memory_space<semaphore_mem>>) src(%arg10 : memref<128x16xf32, #tpu.memory_space<vmem>>) dst(%dma_wait3A_36 : memref<10240x16xf32, #tpu.memory_space<vmem_shared>>)
    %barrier3A_37 = arith.constant 0 : index
    tpu.barrier barrier_id(%barrier3A_37)
    %mul3A_38 = arith.constant 640 : i32
    %mul3A_39 = arith.muli %arg1, %mul3A_38 : i32
    %mul3A_40 = arith.constant 640 : i32
    %mul3A_41 = arith.muli %arg1, %mul3A_40 : i32
    "tpu.region"() ({
      %run_scoped3A = tpu.sem_alloc : memref<!tpu.dma_semaphore, #tpu.memory_space<semaphore_mem>>
      %dma_start3A_42 = arith.constant 0 : i32
      %dma_start3A_43 = tpu.memref_slice %arg6[%arg0, %mul3A_41, %dma_start3A_42] : memref<2x10240x16xf32, #tpu.memory_space<hbm>> -> memref<1x640x16xf32, #tpu.memory_space<hbm>>
      %dma_start3A_44 = tpu.memref_squeeze %dma_start3A_43 : memref<1x640x16xf32, #tpu.memory_space<hbm>> -> memref<640x16xf32, #tpu.memory_space<hbm>>
      %dma_start3A_45 = arith.constant 0 : i32
      %dma_start3A_46 = tpu.memref_slice %arg18[%mul3A_39, %dma_start3A_45] : memref<10240x16xf32, #tpu.memory_space<vmem_shared>> -> memref<640x16xf32, #tpu.memory_space<vmem_shared>>
      tpu.enqueue_dma source(%dma_start3A_46 : memref<640x16xf32, #tpu.memory_space<vmem_shared>>) target(%dma_start3A_44 : memref<640x16xf32, #tpu.memory_space<hbm>>) target_semaphore(%run_scoped3A : memref<!tpu.dma_semaphore, #tpu.memory_space<semaphore_mem>>)
      %dma_wait3A_47 = arith.constant 0 : i32
      %dma_wait3A_48 = tpu.memref_slice %arg6[%arg0, %mul3A_41, %dma_wait3A_47] : memref<2x10240x16xf32, #tpu.memory_space<hbm>> -> memref<1x640x16xf32, #tpu.memory_space<hbm>>
      %dma_wait3A_49 = tpu.memref_squeeze %dma_wait3A_48 : memref<1x640x16xf32, #tpu.memory_space<hbm>> -> memref<640x16xf32, #tpu.memory_space<hbm>>
      %dma_wait3A_50 = arith.constant 0 : i32
      %dma_wait3A_51 = tpu.memref_slice %arg18[%mul3A_39, %dma_wait3A_50] : memref<10240x16xf32, #tpu.memory_space<vmem_shared>> -> memref<640x16xf32, #tpu.memory_space<vmem_shared>>
      tpu.wait_dma2 semaphore(%run_scoped3A : memref<!tpu.dma_semaphore, #tpu.memory_space<semaphore_mem>>) src(%dma_wait3A_51 : memref<640x16xf32, #tpu.memory_space<vmem_shared>>) dst(%dma_wait3A_49 : memref<640x16xf32, #tpu.memory_space<hbm>>)
      tpu.yield
    }) : () -> ()
    return
  }
}

module attributes {stable_mosaic.version = 14 : i64} {
  func.func @_tc_stage_b(%arg0: memref<10000x128xf32, #tpu.memory_space<vmem>>, %arg1: memref<128x16xf32, #tpu.memory_space<vmem>>, %arg2: memref<10240x16xf32, #tpu.memory_space<vmem>>) attributes {dimension_semantics = [], scalar_prefetch = 0 : i64, scratch_operands = 0 : i64, tpu.core_type = #tpu.core_type<tc>} {
    %get3A = arith.constant 0 : index
    %get3A_0 = arith.constant 0 : index
    %get3A_1 = vector.load %arg0[%get3A, %get3A_0] : memref<10000x128xf32, #tpu.memory_space<vmem>>, vector<10000x128xf32>
    %get3A_2 = arith.constant 0 : index
    %get3A_3 = arith.constant 0 : index
    %get3A_4 = vector.load %arg1[%get3A_2, %get3A_3] : memref<128x16xf32, #tpu.memory_space<vmem>>, vector<128x16xf32>
    %dot_general3A = arith.constant dense<0.000000e+00> : vector<10000x16xf32>
    %dot_general3A_5 = tpu.matmul %get3A_1, %get3A_4, %dot_general3A {dimension_numbers = #tpu.dot_dimension_numbers<[1], [0], [0], [1], [0, 0, 1, 1], [], []>, transpose_lhs_hint = false} : vector<10000x128xf32>, vector<128x16xf32>, vector<10000x16xf32> -> vector<10000x16xf32>
    %swap3A = arith.constant 0 : index
    %swap3A_6 = arith.constant 0 : index
    %swap3A_7 = vector.load %arg2[%swap3A, %swap3A_6] : memref<10240x16xf32, #tpu.memory_space<vmem>>, vector<10000x16xf32>
    tpu.vector_store %arg2[%swap3A, %swap3A_6], %dot_general3A_5 {strides = array<i32>} : memref<10240x16xf32, #tpu.memory_space<vmem>>, vector<10000x16xf32>,
    %broadcast_in_dim3A = arith.constant 0.000000e+00 : f32
    %broadcast_in_dim3A_8 = vector.broadcast %broadcast_in_dim3A : f32 to vector<240x16xf32>
    %swap3A_9 = arith.constant 10000 : index
    %swap3A_10 = arith.constant 0 : index
    %swap3A_11 = vector.load %arg2[%swap3A_9, %swap3A_10] : memref<10240x16xf32, #tpu.memory_space<vmem>>, vector<240x16xf32>
    tpu.vector_store %arg2[%swap3A_9, %swap3A_10], %broadcast_in_dim3A_8 {strides = array<i32>} : memref<10240x16xf32, #tpu.memory_space<vmem>>, vector<240x16xf32>,
    return
  }
}

module attributes {stable_mosaic.version = 14 : i64} {
  func.func @_tc_stage_d(%arg0: memref<2x10240x16xf32, #tpu.memory_space<vmem>>, %arg1: memref<10240x16xf32, #tpu.memory_space<vmem>>, %arg2: memref<20480xf32, #tpu.memory_space<vmem>>, %arg3: memref<16xf32, #tpu.memory_space<vmem>>, %arg4: memref<16x32xf32, #tpu.memory_space<vmem>>, %arg5: memref<10240x32xf32, #tpu.memory_space<vmem>>) attributes {dimension_semantics = [], scalar_prefetch = 0 : i64, scratch_operands = 0 : i64, tpu.core_type = #tpu.core_type<tc>} {
    %get3A = arith.constant 0 : index
    %get3A_0 = vector.load %arg2[%get3A] : memref<20480xf32, #tpu.memory_space<vmem>>, vector<10240xf32>
    %get3A_1 = arith.constant 10240 : index
    %get3A_2 = vector.load %arg2[%get3A_1] : memref<20480xf32, #tpu.memory_space<vmem>>, vector<10240xf32>
    %add3A = arith.addf %get3A_0, %get3A_2 : vector<10240xf32>
    %add3A_3 = arith.constant 1.000000e+00 : f32
    %add3A_4 = vector.broadcast %add3A_3 : f32 to vector<10240xf32>
    %add3A_5 = arith.addf %add3A, %add3A_4 : vector<10240xf32>
    %rsqrt3A = math.rsqrt %add3A_5 : vector<10240xf32>
    %reshape3A = vector.shape_cast %rsqrt3A : vector<10240xf32> to vector<1x10240xf32>
    %transpose3A = tpu.transpose %reshape3A, [1, 0] : vector<1x10240xf32> -> vector<10240x1xf32>
    %get3A_6 = arith.constant 0 : index
    %get3A_7 = arith.constant 0 : index
    %get3A_8 = arith.constant 0 : index
    %get3A_9 = vector.load %arg0[%get3A_6, %get3A_7, %get3A_8] : memref<2x10240x16xf32, #tpu.memory_space<vmem>>, vector<1x10240x16xf32>
    %get3A_10 = vector.shape_cast %get3A_9 : vector<1x10240x16xf32> to vector<10240x16xf32>
    %get3A_11 = arith.constant 1 : index
    %get3A_12 = arith.constant 0 : index
    %get3A_13 = arith.constant 0 : index
    %get3A_14 = vector.load %arg0[%get3A_11, %get3A_12, %get3A_13] : memref<2x10240x16xf32, #tpu.memory_space<vmem>>, vector<1x10240x16xf32>
    %get3A_15 = vector.shape_cast %get3A_14 : vector<1x10240x16xf32> to vector<10240x16xf32>
    %add3A_16 = arith.addf %get3A_10, %get3A_15 : vector<10240x16xf32>
    %get3A_17 = arith.constant 0 : index
    %get3A_18 = arith.constant 0 : index
    %get3A_19 = vector.load %arg1[%get3A_17, %get3A_18] : memref<10240x16xf32, #tpu.memory_space<vmem>>, vector<10240x16xf32>
    %mul3A = vector.broadcast %transpose3A : vector<10240x1xf32> to vector<10240x16xf32>
    %mul3A_20 = arith.mulf %get3A_19, %mul3A : vector<10240x16xf32>
    %add3A_21 = arith.addf %add3A_16, %mul3A_20 : vector<10240x16xf32>
    %mul3A_22 = vector.broadcast %transpose3A : vector<10240x1xf32> to vector<10240x16xf32>
    %mul3A_23 = arith.mulf %add3A_21, %mul3A_22 : vector<10240x16xf32>
    %get3A_24 = arith.constant 0 : index
    %get3A_25 = vector.load %arg3[%get3A_24] : memref<16xf32, #tpu.memory_space<vmem>>, vector<16xf32>
    %broadcast_in_dim3A = vector.shape_cast %get3A_25 : vector<16xf32> to vector<1x16xf32>
    %add3A_26 = vector.broadcast %broadcast_in_dim3A : vector<1x16xf32> to vector<10240x16xf32>
    %add3A_27 = arith.addf %mul3A_23, %add3A_26 : vector<10240x16xf32>
    %max3A = arith.constant 0.000000e+00 : f32
    %max3A_28 = vector.broadcast %max3A : f32 to vector<10240x16xf32>
    %max3A_29 = arith.maximumf %add3A_27, %max3A_28 : vector<10240x16xf32>
    %mul3A_30 = vector.broadcast %transpose3A : vector<10240x1xf32> to vector<10240x16xf32>
    %mul3A_31 = arith.mulf %max3A_29, %mul3A_30 : vector<10240x16xf32>
    %get3A_32 = arith.constant 0 : index
    %get3A_33 = arith.constant 0 : index
    %get3A_34 = vector.load %arg4[%get3A_32, %get3A_33] : memref<16x32xf32, #tpu.memory_space<vmem>>, vector<16x32xf32>
    %dot_general3A = arith.constant dense<0.000000e+00> : vector<10240x32xf32>
    %dot_general3A_35 = tpu.matmul %mul3A_31, %get3A_34, %dot_general3A {dimension_numbers = #tpu.dot_dimension_numbers<[1], [0], [0], [1], [0, 0, 1, 1], [], []>, transpose_lhs_hint = false} : vector<10240x16xf32>, vector<16x32xf32>, vector<10240x32xf32> -> vector<10240x32xf32>
    %slice3A = vector.extract_strided_slice %dot_general3A_35 {offsets = [0, 0], sizes = [10000, 32], strides = [1, 1]} : vector<10240x32xf32> to vector<10000x32xf32>
    %swap3A = arith.constant 0 : index
    %swap3A_36 = arith.constant 0 : index
    %swap3A_37 = vector.load %arg5[%swap3A, %swap3A_36] : memref<10240x32xf32, #tpu.memory_space<vmem>>, vector<10000x32xf32>
    tpu.vector_store %arg5[%swap3A, %swap3A_36], %slice3A {strides = array<i32>} : memref<10240x32xf32, #tpu.memory_space<vmem>>, vector<10000x32xf32>,
    %broadcast_in_dim3A_38 = arith.constant 0.000000e+00 : f32
    %broadcast_in_dim3A_39 = vector.broadcast %broadcast_in_dim3A_38 : f32 to vector<240x32xf32>
    %swap3A_40 = arith.constant 10000 : index
    %swap3A_41 = arith.constant 0 : index
    %swap3A_42 = vector.load %arg5[%swap3A_40, %swap3A_41] : memref<10240x32xf32, #tpu.memory_space<vmem>>, vector<240x32xf32>
    tpu.vector_store %arg5[%swap3A_40, %swap3A_41], %broadcast_in_dim3A_39 {strides = array<i32>} : memref<10240x32xf32, #tpu.memory_space<vmem>>, vector<240x32xf32>,
    return
  }
}

module attributes {stable_mosaic.version = 14 : i64} {
  func.func @_tc_stage_f(%arg0: memref<2x10240x32xf32, #tpu.memory_space<vmem>>, %arg1: memref<10240x32xf32, #tpu.memory_space<vmem>>, %arg2: memref<20480xf32, #tpu.memory_space<vmem>>, %arg3: memref<32xf32, #tpu.memory_space<vmem>>, %arg4: memref<32x128xf32, #tpu.memory_space<vmem>>, %arg5: memref<128xf32, #tpu.memory_space<vmem>>, %arg6: memref<1000x10x128xf32, #tpu.memory_space<vmem>>) attributes {dimension_semantics = [], scalar_prefetch = 0 : i64, scratch_operands = 0 : i64, tpu.core_type = #tpu.core_type<tc>} {
    %get3A = arith.constant 0 : index
    %get3A_0 = vector.load %arg2[%get3A] : memref<20480xf32, #tpu.memory_space<vmem>>, vector<10240xf32>
    %get3A_1 = arith.constant 10240 : index
    %get3A_2 = vector.load %arg2[%get3A_1] : memref<20480xf32, #tpu.memory_space<vmem>>, vector<10240xf32>
    %add3A = arith.addf %get3A_0, %get3A_2 : vector<10240xf32>
    %add3A_3 = arith.constant 1.000000e+00 : f32
    %add3A_4 = vector.broadcast %add3A_3 : f32 to vector<10240xf32>
    %add3A_5 = arith.addf %add3A, %add3A_4 : vector<10240xf32>
    %rsqrt3A = math.rsqrt %add3A_5 : vector<10240xf32>
    %reshape3A = vector.shape_cast %rsqrt3A : vector<10240xf32> to vector<1x10240xf32>
    %transpose3A = tpu.transpose %reshape3A, [1, 0] : vector<1x10240xf32> -> vector<10240x1xf32>
    %slice3A = vector.extract_strided_slice %transpose3A {offsets = [0, 0], sizes = [10000, 1], strides = [1, 1]} : vector<10240x1xf32> to vector<10000x1xf32>
    %get3A_6 = arith.constant 0 : index
    %get3A_7 = arith.constant 0 : index
    %get3A_8 = arith.constant 0 : index
    %get3A_9 = vector.load %arg0[%get3A_6, %get3A_7, %get3A_8] : memref<2x10240x32xf32, #tpu.memory_space<vmem>>, vector<1x10000x32xf32>
    %get3A_10 = vector.shape_cast %get3A_9 : vector<1x10000x32xf32> to vector<10000x32xf32>
    %get3A_11 = arith.constant 1 : index
    %get3A_12 = arith.constant 0 : index
    %get3A_13 = arith.constant 0 : index
    %get3A_14 = vector.load %arg0[%get3A_11, %get3A_12, %get3A_13] : memref<2x10240x32xf32, #tpu.memory_space<vmem>>, vector<1x10000x32xf32>
    %get3A_15 = vector.shape_cast %get3A_14 : vector<1x10000x32xf32> to vector<10000x32xf32>
    %add3A_16 = arith.addf %get3A_10, %get3A_15 : vector<10000x32xf32>
    %get3A_17 = arith.constant 0 : index
    %get3A_18 = arith.constant 0 : index
    %get3A_19 = vector.load %arg1[%get3A_17, %get3A_18] : memref<10240x32xf32, #tpu.memory_space<vmem>>, vector<10000x32xf32>
    %add3A_20 = arith.addf %add3A_16, %get3A_19 : vector<10000x32xf32>
    %mul3A = vector.broadcast %slice3A : vector<10000x1xf32> to vector<10000x32xf32>
    %mul3A_21 = arith.mulf %add3A_20, %mul3A : vector<10000x32xf32>
    %get3A_22 = arith.constant 0 : index
    %get3A_23 = vector.load %arg3[%get3A_22] : memref<32xf32, #tpu.memory_space<vmem>>, vector<32xf32>
    %broadcast_in_dim3A = vector.shape_cast %get3A_23 : vector<32xf32> to vector<1x32xf32>
    %add3A_24 = vector.broadcast %broadcast_in_dim3A : vector<1x32xf32> to vector<10000x32xf32>
    %add3A_25 = arith.addf %mul3A_21, %add3A_24 : vector<10000x32xf32>
    %max3A = arith.constant 0.000000e+00 : f32
    %max3A_26 = vector.broadcast %max3A : f32 to vector<10000x32xf32>
    %max3A_27 = arith.maximumf %add3A_25, %max3A_26 : vector<10000x32xf32>
    %get3A_28 = arith.constant 0 : index
    %get3A_29 = arith.constant 0 : index
    %get3A_30 = vector.load %arg4[%get3A_28, %get3A_29] : memref<32x128xf32, #tpu.memory_space<vmem>>, vector<32x128xf32>
    %dot_general3A = arith.constant dense<0.000000e+00> : vector<10000x128xf32>
    %dot_general3A_31 = tpu.matmul %max3A_27, %get3A_30, %dot_general3A {dimension_numbers = #tpu.dot_dimension_numbers<[1], [0], [0], [1], [0, 0, 1, 1], [], []>, transpose_lhs_hint = false} : vector<10000x32xf32>, vector<32x128xf32>, vector<10000x128xf32> -> vector<10000x128xf32>
    %get3A_32 = arith.constant 0 : index
    %get3A_33 = vector.load %arg5[%get3A_32] : memref<128xf32, #tpu.memory_space<vmem>>, vector<128xf32>
    %broadcast_in_dim3A_34 = vector.shape_cast %get3A_33 : vector<128xf32> to vector<1x128xf32>
    %add3A_35 = vector.broadcast %broadcast_in_dim3A_34 : vector<1x128xf32> to vector<10000x128xf32>
    %add3A_36 = arith.addf %dot_general3A_31, %add3A_35 : vector<10000x128xf32>
    %reshape3A_37 = vector.shape_cast %add3A_36 : vector<10000x128xf32> to vector<1000x10x128xf32>
    %swap3A = arith.constant 0 : index
    %swap3A_38 = arith.constant 0 : index
    %swap3A_39 = arith.constant 0 : index
    %swap3A_40 = vector.load %arg6[%swap3A, %swap3A_38, %swap3A_39] : memref<1000x10x128xf32, #tpu.memory_space<vmem>>, vector<1000x10x128xf32>
    tpu.vector_store %arg6[%swap3A, %swap3A_38, %swap3A_39], %reshape3A_37 {strides = array<i32>} : memref<1000x10x128xf32, #tpu.memory_space<vmem>>, vector<1000x10x128xf32>,
    return
  }
}

</mosaic_0001>

<sc_bundles>
// kernel: kernel.11.cloned.1.call-start
scs
__scs_entry_jumppad:
0x0: {  	(pc) =	sbr.rel $0x88, $3  }
0x1: {  	(tag) =	ssettag $0x0;
	lr =	simm.s32 $0x1  }
0x2: {  	[smem:$0x3F99] =	sst lr;
	_ =	strace $0xD0000000  }
0x3: {  	_ = 	snop  }
0x4: {  	_ = 	snop  }
0x5: {  	_ = 	snop  }
0x6: {  	_ = 	snop  }
0x7: {  	_ = 	snop  }
__scs_overlays_trampoline_lowered:
0x8: {  	[smem:$0x3FA8] =	sst s0  }
0x9: {  	[smem:$0x3FA9] =	sst s1  }
0xa: {  	[smem:$0x3FAA] =	sst s2  }
0xb: {  	[smem:$0x3FAB] =	sst s3  }
0xc: {  	[smem:$0x3FAC] =	sst s4  }
0xd: {  	[smem:$0x3FAD] =	sst s5  }
0xe: {  	[smem:$0x3FAE] =	sst s6  }
0xf: {  	[smem:$0x3FAF] =	sst s7  }
0x10: {  	[smem:$0x3FB0] =	sst s8  }
0x11: {  	[smem:$0x3FB1] =	sst s9;
	s0 =	simm.s32 @!p0 $0x0  }
0x12: {  	s1 =	sld [smem:$0x3F97];
	s0 =	simm.s32 @p0 $0x1  }
0x13: {  	[smem:$0x3FB2] =	sst s0;
	s0 =	simm.s32 @!p1 $0x0  }
0x14: {  	s2 =	sld [smem:$0x3F96];
	s0 =	simm.s32 @p1 $0x1  }
0x15: {  	[smem:$0x3FB3] =	sst s0;
	s0 =	simm.s32 @!p2 $0x0  }
0x16: {  	s3 =	sld [smem:$0x3FDB];
	s0 =	simm.s32 @p2 $0x1  }
0x17: {  	s4 =	simm.s32 $0x1BF5;
	[smem:$0x3FB5] =	sst s0  }
0x18: {  	s0 =	sld [smem:$0x3F98];
	_ =	swait.ge [sflag:s4], $0x0  }
0x19: {  	s7 =	sld [smem:$0x3F99]  }
0x1a: {  	s8 =	sadd.s32 $0xFFFFE003, lr  }
0x1b: {  	s9 =	sadd.s32 $0xFFFFFEF7, lr;
	s5 =	simm.s32 $0xFFFFFFFF;
	p2 =	slt.u32 s8, $0xFFFFF086  }
0x1c: {  	p1 =	slt.u32 s9, $0xF7A;
	s5 =	simm.s32 @!p2 $0x0  }
0x1d: {  	s5 =	simm.s32 @p1 $0x1;
	p0 =	seq.s32 s7, s2  }
0x1e: {  	s7 =	smul.u32 @!p0 $0xF7A, s2;
	p2 =	seq.s32 @!p0 s5, $0x0  }
0x1f: {  	s9 =	smul.u32 $0xF7A, s1;
	s8 =	simm.s32 @!p0 $0x1BF5;
	p2 =	por !p2, p0  }
0x20: {  	[sflag:s8] =	ssyncset.s32 @!p0 $0xFFFFF086;
	s6 =	sadd.s32 @!p0 s3, s7;
	s7 =	simm.s32 @!p0 $0x108  }
0x21: {  	s3 =	sadd.s32 s3, s9;
	s6 =	sadd.s32 @!p0 $0x88, s6;
	s7 =	simm.s32 @p2 $0x1082  }
0x22: {  	[simem:s7], [sflag:s8] =	dma.local @!p0 [hbm:s6], $0xF7A  }
0x23: {  	s9 =	sor.u32 $0xD0000000, s2;
	s6 =	simm.s32 $0x108;
	_ =	swait.ge @!p0 [sflag:s8], $0x0  }
0x24: {  	s3 =	sadd.s32 $0x88, s3;
	s6 =	simm.s32 @!p1 $0x1082;
	[sflag:s4] =	ssyncset.s32 $0xFFFFF086  }
0x25: {  	[simem:s6], [sflag:s4] =	dma.local [hbm:s3], $0xF7A  }
0x26: {  	[smem:$0x3F99] =	sst s1;
	(tag) =	ssettag s2;
	_ =	strace s9  }
0x27: {  	s1 =	sld [smem:$0x3FA9]  }
0x28: {  	s2 =	sld [smem:$0x3FAA]  }
0x29: {  	s4 =	sld [smem:$0x3FAC]  }
0x2a: {  	p0 =	seq.s32 s5, $0x0;
	s5 =	sld [smem:$0x3FAD]  }
0x2b: {  	s6 =	sld [smem:$0x3FAE]  }
0x2c: {  	s7 =	sld [smem:$0x3FAF]  }
0x2d: {  	s3 =	simm.s32 $0x108;
	s8 =	sld [smem:$0x3FB0]  }
0x2e: {  	s3 =	simm.s32 @!p0 $0x1082;
	s9 =	sld [smem:$0x3FB1]  }
0x2f: {  	lr =	sadd.s32 s0, s3;
	s0 =	sld [smem:$0x3FA8]  }
0x30: {  	s3 =	sld [smem:$0x3FAB]  }
0x31: {  	[smem:$0x3FB4] =	sst s10  }
0x32: {  	s10 =	sld [smem:$0x3FB2];
	_ =	sdelay $0x3  }
0x33: {  	p0 =	seq.s32 s10, $0x1;
	s10 =	sld [smem:$0x3FB4];
	_ =	sdelay $0x3  }
0x34: {  	[smem:$0x3FB4] =	sst s10  }
0x35: {  	s10 =	sld [smem:$0x3FB3];
	_ =	sdelay $0x3  }
0x36: {  	p1 =	seq.s32 s10, $0x1;
	s10 =	sld [smem:$0x3FB4];
	_ =	sdelay $0x3  }
0x37: {  	[smem:$0x3FB4] =	sst s10  }
0x38: {  	s10 =	sld [smem:$0x3FB5]  }
0x39: {  	_ = 	snop;
	(pc) =	sbr.ind lr, $3  }
0x3a: {  	_ = 	snop  }
0x3b: {  	_ = 	snop  }
0x3c: {  	p2 =	seq.s32 s10, $0x1;
	s10 =	sld [smem:$0x3FB4]  }
0x3d: {  	_ =	shalt  }
0x3e: {  	_ =	shalt  }
0x3f: {  	_ =	shalt  }
0x40: {  	_ =	shalt  }
0x41: {  	_ =	shalt  }
0x42: {  	_ =	shalt  }
0x43: {  	_ =	shalt  }
0x44: {  	_ =	shalt  }
0x45: {  	_ =	shalt  }
0x46: {  	_ =	shalt  }
0x47: {  	_ =	shalt  }
0x48: {  	_ =	shalt  }
0x49: {  	_ =	shalt  }
0x4a: {  	_ =	shalt  }
0x4b: {  	_ =	shalt  }
0x4c: {  	_ =	shalt  }
0x4d: {  	_ =	shalt  }
0x4e: {  	_ =	shalt  }
0x4f: {  	_ =	shalt  }
0x50: {  	_ =	shalt  }
0x51: {  	_ =	shalt  }
0x52: {  	_ =	shalt  }
0x53: {  	_ =	shalt  }
0x54: {  	_ =	shalt  }
0x55: {  	_ =	shalt  }
0x56: {  	_ =	shalt  }
0x57: {  	_ =	shalt  }
0x58: {  	_ =	shalt  }
0x59: {  	_ =	shalt  }
0x5a: {  	_ =	shalt  }
0x5b: {  	_ =	shalt  }
0x5c: {  	_ =	shalt  }
0x5d: {  	_ =	shalt  }
0x5e: {  	_ =	shalt  }
0x5f: {  	_ =	shalt  }
0x60: {  	_ =	shalt  }
0x61: {  	_ =	shalt  }
0x62: {  	_ =	shalt  }
0x63: {  	_ =	shalt  }
0x64: {  	_ =	shalt  }
0x65: {  	_ =	shalt  }
0x66: {  	_ =	shalt  }
0x67: {  	_ =	shalt  }
0x68: {  	_ =	shalt  }
0x69: {  	_ =	shalt  }
0x6a: {  	_ =	shalt  }
0x6b: {  	_ =	shalt  }
0x6c: {  	_ =	shalt  }
0x6d: {  	_ =	shalt  }
0x6e: {  	_ =	shalt  }
0x6f: {  	_ =	shalt  }
0x70: {  	_ =	shalt  }
0x71: {  	_ =	shalt  }
0x72: {  	_ =	shalt  }
0x73: {  	_ =	shalt  }
0x74: {  	_ =	shalt  }
0x75: {  	_ =	shalt  }
0x76: {  	_ =	shalt  }
0x77: {  	_ =	shalt  }
0x78: {  	_ =	shalt  }
0x79: {  	_ =	shalt  }
0x7a: {  	_ =	shalt  }
0x7b: {  	_ =	shalt  }
0x7c: {  	_ =	shalt  }
0x7d: {  	_ =	shalt  }
0x7e: {  	_ =	shalt  }
0x7f: {  	_ =	shalt  }
0x80: {  	_ =	shalt  }
0x81: {  	_ =	shalt  }
0x82: {  	_ =	shalt  }
0x83: {  	_ =	shalt  }
0x84: {  	_ =	shalt  }
0x85: {  	_ =	shalt  }
0x86: {  	_ =	shalt  }
0x87: {  	_ =	shalt  }
.Lfunc_end0:
.L_simem_size_0:
called_computation.1_lowered:
.L_overlay_start_0:
0x88: {  	s2 =	sld [smem:$0x3FD9]  }
0x89: {  	s3 =	sld [smem:$0x3FFE];
	_ =	sdelay $0x1  }
0x8a: {  	s1 =	srdreg.scid  }
0x8b: {  	s0 =	sand.u32 $0x1, s1  }
0x8c: {  	s17 =	sshll.u32 s0, $0xA;
	s2 =	sadd.s32 s3, s2  }
0x8d: {  	s2 =	sadd.s32 s2, s17  }
0x8e: {  	[smem:$0x3FC0] =	sst s2  }
0x8f: {  	_ = 	snop  }
0x90: {  	s2 =	sld [smem:$0x3FD0];
	(tm) =	ssettm $0x1  }
0x91: {  	s18 =	sld [smem:$0x3FFB];
	_ =	sdelay $0x3  }
0x92: {  	_ =	strace s18  }
0x93: {  	s3 =	sld [smem:$0x3FFC];
	_ =	sdelay $0x3  }
0x94: {  	_ =	strace s3  }
0x95: {  	s3 =	sld [smem:$0x3FFD];
	_ =	sdelay $0x3  }
0x96: {  	_ =	strace s3  }
0x97: {  	_ =	strace $0x8FFFFFFF  }
0x98: {  	s19 =	sld [smem:$0x3FDB];
	_ =	sdelay $0x1  }
0x99: {  	s4 =	simm.s32 $_scs_section_size  }
0x9a: {  	s5 =	simm.s32 $_size__tile_overlayer_lowered;
	s6 =	simm.s32 $_tile_overlayer_lowered  }
0x9b: {  	s22 =	simm.s32 $0x1BFF;
	s21 =	sshll.u32 s6, $0x1;
	s3 =	sadd.s32 s4, s19  }
0x9c: {  	s7 =	simm.s32 $0x0;
	s20 =	sshll.u32 s5, $0x1;
	s5 =	sadd.s32 s21, s3  }
0x9d: {  	[timem:s7], [sflag:s22] =	dma.local [hbm:s5], s20  }
0x9e: {  	_ =	swait.ge [sflag:s22], s20  }
0x9f: {  	s4 =	ssub.s32 $0x0, s20;
	[sflag:s22] =	ssyncset.done $0x0  }
0xa0: {  	[sflag:s22] =	ssyncadd.s32 s4;
	_ =	sdelay $0x1  }
0xa1: {  	s23 =	simm.s32 $0x1B8B  }
0xa2: {  	_ =	swait.ge [sflag:s23], $0x1  }
0xa3: {  	[sflag:s23] =	ssyncset.done $0x0  }
0xa4: {  	s25 =	simm.s32 $0x1B8E;
	s24 =	sld [smem:$0x3FFE];
	[sflag:s23] =	ssyncadd.s32 $0xFFFFFFFF  }
0xa5: {  	s26 =	simm.s32 $execute0_lowered;
	[smem:$0x3FD2] =	sst s25  }
0xa6: {  	s5 =	sshll.u32 s26, $0x1;
	_ =	strace $0x80000049;
	[dreg:$0x1] =	wrdreg $0xFFFFFFFF  }
0xa7: {  	s28 =	simm.s32 $_size_execute0_lowered;
	s3 =	sadd.s32 s3, s5;
	[dreg:$0x0] =	wrdreg $0x0  }
0xa8: {  	s5 =	sshll.u32 s28, $0x1;
	[dreg:$0x2] =	wrdreg s3  }
0xa9: {  	[dreg:$0x3] =	wrdreg s5  }
0xaa: {  	[dreg:$0x4] =	wrdreg $0xC0  }
0xab: {  	_ =	task [dreg:s7], $0x5FFFF  }
0xac: {  	[dreg:$0x1] =	wrdreg $0xFFFFFFFF  }
0xad: {  	[dreg:$0x0] =	wrdreg $0x60  }
0xae: {  	[dreg:$0x2] =	wrdreg s24  }
0xaf: {  	[dreg:$0x3] =	wrdreg s2  }
0xb0: {  	[dreg:$0x4] =	wrdreg $0xB5000  }
0xb1: {  	[dreg:$0x5] =	wrdreg $0x8D000  }
0xb2: {  	[dreg:$0x6] =	wrdreg $0x9  }
0xb3: {  	_ =	task.clear_ibuf [dreg:s7], $0x7FFFF;
	_ =	strace $0x90000049  }
0xb4: {  	s29 =	simm.s32 $0x9;
	_ =	strace $0x8000004B  }
0xb5: {  	_ =	swait.ge [sflag:s29], $0x1  }
0xb6: {  	[sflag:s29] =	ssyncadd.s32 $0xFFFFFFFF  }
0xb7: {  	_ =	strace $0x9000004B  }
0xb8: {  	_ =	sfence  }
0xb9: {  	s30 =	sld [smem:$0x0];
	_ =	sdelay $0x2  }
0xba: {  	s31 =	sshll.u32 s1, $0xD;
	s1 =	sshrl.u32 s1, $0x2  }
0xbb: {  	s3 =	sand.u32 $0x4000, s31;
	s1 =	sadd.s32 s1, s30  }
0xbc: {  	s0 =	sor.u32 s3, s0;
	s1 =	sshll.u32 s1, $0x11  }
0xbd: {  	s0 =	sor.u32 s1, s0  }
0xbe: {  	s0 =	sadd.s32 $0x8F2B, s0  }
0xbf: {  	[sflag:s0] =	ssyncadd.remote.s32 $0x1  }
0xc0: {  	_ =	sfence.sel $0xFFFF  }
0xc1: {  	[dreg:$0x0] =	wrdreg $0xFFFFFFFF;
	(pc) =	sbr.abs _section_cstart, $3  }
0xc2: {  	[dreg:$0x1] =	wrdreg $0xFFFFFFFF  }
0xc3: {  	_ =	task.clear_ibuf [dreg:s7], $0x2FFFF;
	_ =	strace $0x9FFFFFFF  }
0xc4: {  	(tm) =	ssettm $0x7FFFFFFF  }
0xc5: {  	_ =	shalt  }
tec
execute0_lowered:
.L_overlay_start_1:
0x0: {  	(tag) =	ssettag $0x1  }
0x1: {  	s1 =	rddreg [dreg:$0x0]  }
0x2: {  	s12 =	rddreg [dreg:$0x1]  }
0x3: {  	s2 =	rddreg [dreg:$0x2]  }
0x4: {  	s0 =	srdreg.scid;
	s3 =	rddreg [dreg:$0x3];
	s15 =	simm.s32 $0x2800  }
0x5: {  	s16 =	simm.s32 $0x6000;
	s17 =	simm.s32 $0x8800;
	s18 =	simm.s32 $0x8A80  }
0x6: {  	s19 =	simm.s32 $0x80;
	s20 =	simm.s32 $0x5000;
	s21 =	simm.s32 $0x1  }
0x7: {  	s22 =	simm.s32 $0x5800;
	s23 =	simm.s32 $0x2;
	s24 =	simm.s32 $0x3  }
0x8: {  	s25 =	simm.s32 $0x100;
	s5 =	sand.u32 $0x1, s0;
	s0 =	stileid.u32  }
0x9: {  	s26 =	simm.s32 $0x2880;
	s28 =	simm.s32 $0x4;
	s11 =	smul.u32 $0x2800, s0  }
0xa: {  	s29 =	simm.s32 $0x0;
	s4 =	sshll.u32 s5, $0x4;
	s8 =	smul.u32 $0x280, s0  }
0xb: {  	s9 =	ssub.s32 $0x2, s5;
	s10 =	smul.u32 $0x28000, s5;
	s6 =	sor.u32 s0, s4  }
0xc: {  	s4 =	simm.s32 $0x0;
	s30 =	sshrl.u32 s9, $0x1;
	s6 =	smul.u32 $0x500, s6  }
0xd: {  	[smem:$0x7FF] =	sst s4;
	s7 =	sshrl.u32 s11, $0x3;
	s8 =	sshrl.u32 s8, $0x3  }
0xe: {  	v0 =	vimm.s32 $0x1;
	v1 =	vimm.s32 $0x0;
	s13 =	ssub.s32 s9, s30;
	s14 =	sadd.s32 s11, s10;
	s10 =	sadd.s32 s11, s2  }
.Ltmp0:
0xf: {  	v2 =	vimm.s32 $0x2;
	v3 =	vimm.s32 $0x3;
	v4 =	vimm.s32 $0x4;
	s11 =	sadd.s32 s11, s3;
	_ =	strace $0x8000004A;
	(pc) =	sbr.rel .LBB2_1-.Ltmp0, $4  }
0x10: {  	v5 =	vimm.s32 $0x5;
	v6 =	vimm.s32 $0x6;
	v7 =	vimm.s32 $0x7;
	s7 =	sadd.s32 s7, s1;
	s31 =	sshrl.u32 s14, $0x3;
	s13 =	smax.u32 s13, $0x1  }
0x11: {  	v8 =	vimm.s32 $0x8;
	v9 =	vimm.s32 $0x9;
	v10 =	vimm.s32 $0xA;
	s14 =	simm.s32 $0x5;
	s6 =	sadd.s32 s6, s1;
	s1 =	sadd.s32 s8, s1  }
0x12: {  	v11 =	vimm.s32 $0xB;
	v12 =	vimm.s32 $0xC;
	v13 =	vimm.s32 $0xD;
	s7 =	sadd.s32 $0x17000, s7;
	s12 =	sadd.s32 s12, s31;
	s5 =	sadd.s32 $0xC600, s6  }
0x13: {  	v14 =	vimm.s32 $0xE;
	v15 =	vimm.s32 $0xF;
	v16 =	vimm.f32 $0.0e+00;
	s6 =	sadd.s32 $0x2600, s6;
	s8 =	sadd.s32 $0x16600, s1;
	s9 =	sadd.s32 $0x16B00, s1  }
.LBB2_8:
0x14: {  	[spmem:s3] =	stream.indirect.scatter.add.f32 [tilespmem:s22], [sflag:$0x4], $0x10, s1, s19, $0xb8;
	[tilespmem:$0xDD00] =	vst v63  }
0x15: {  	_ =	swait.ge [sflag:s28], $0x800  }
0x16: {  	s31 =	sshll.u32 s0, $0x6;
	s29 =	sadd.s32 $0x1, s29;
	[sflag:s28] =	ssyncset.done $0x0  }
0x17: {  	s30 =	sshrl.u32 s11, $0x3;
	p0 =	sne.s32 s29, s13;
	[sflag:s28] =	ssyncadd.s32 $0xFFFFF800  }
.Ltmp1:
0x18: {  	s1 =	sor.u32 $0x1C05, s31;
	[bflag:$0x0] =	sbarrier.arrive $0xFFFF;
	(pc) =	sbr.rel @!p0 .LBB2_9-.Ltmp1, $4  }
0x19: {  	[hbm:s12], [sflag:s1] =	dma.local [spmem:s30], $0x500  }
0x1a: {  	_ =	swait.ge [sflag:s14], $0x500  }
0x1b: {  	[sflag:s14] =	ssyncset.done $0x0  }
0x1c: {  	[sflag:s14] =	ssyncadd.s32 $0xFFFFFB00  }
.LBB2_1:
0x1d: {  	[tilespmem:s4], [sflag:$0x5] =	stream.linear.gather [hbm4b:s5+s4], $0x2800, $0x38;
	[tilespmem:$0xDD00] =	vst v63  }
0x1e: {  	_ =	swait.ge [sflag:s14], $0x2800  }
0x1f: {  	[sflag:s14] =	ssyncset.done $0x0  }
0x20: {  	[sflag:s14] =	ssyncadd.s32 $0xFFFFD800  }
0x21: {  	[tilespmem:s15], [sflag:$0x5] =	stream.linear.gather [hbm4b:s6+s4], $0x2800, $0x38;
	[tilespmem:$0xDD00] =	vst v63  }
0x22: {  	_ =	swait.ge [sflag:s14], $0x2800  }
0x23: {  	[sflag:s14] =	ssyncset.done $0x0  }
0x24: {  	[sflag:s14] =	ssyncadd.s32 $0xFFFFD800  }
0x25: {  	[tilespmem:s16], [sflag:$0x5] =	stream.linear.gather [hbm4b:s7+s4], $0x2800, $0x38;
	[tilespmem:$0xDD00] =	vst v63  }
0x26: {  	_ =	swait.ge [sflag:s14], $0x2800  }
0x27: {  	[sflag:s14] =	ssyncset.done $0x0  }
0x28: {  	[sflag:s14] =	ssyncadd.s32 $0xFFFFD800  }
0x29: {  	[tilespmem:s17], [sflag:$0x5] =	stream.linear.gather [hbm4b:s8+s4], $0x280, $0x38;
	[tilespmem:$0xDD00] =	vst v63  }
0x2a: {  	_ =	swait.ge [sflag:s14], $0x280  }
0x2b: {  	[sflag:s14] =	ssyncset.done $0x0  }
0x2c: {  	[sflag:s14] =	ssyncadd.s32 $0xFFFFFD80  }
0x2d: {  	[tilespmem:s18], [sflag:$0x5] =	stream.linear.gather [hbm4b:s9+s4], $0x280, $0x38;
	[tilespmem:$0xDD00] =	vst v63  }
0x2e: {  	_ =	swait.ge [sflag:s14], $0x280  }
0x2f: {  	[sflag:s14] =	ssyncset.done $0x0  }
0x30: {  	s1 =	simm.s32 $0x0;
	[sflag:s14] =	ssyncadd.s32 $0xFFFFFD80  }
0x31: {  	v17 =	vld [tilespmem:s1+$0x8A80]  }
0x32: {  	v18 =	vld [tilespmem:s1+$0x8800];
	_ =	sdelay $0x4  }
0x33: {  	v17 =	vadd.f32 v17, v18;
	_ =	sdelay $0x1  }
0x34: {  	v17 =	vadd.f32 $1.000000000e+00, v17;
	_ =	sdelay $0x1  }
0x35: {  	v18 =	vshra.s32 v17, $0x1;
	v17 =	vmul.f32 $5.000000000e-01, v17  }
0x36: {  	v18 =	vsub.s32 $0x5F3759DF, v18  }
0x37: {  	v19 =	vmul.f32 v18, v17;
	_ =	sdelay $0x1  }
0x38: {  	v19 =	vmul.f32 v18, v19;
	_ =	sdelay $0x1  }
0x39: {  	v19 =	vsub.f32 $1.500000000e+00, v19;
	_ =	sdelay $0x1  }
0x3a: {  	v18 =	vmul.f32 v18, v19;
	_ =	sdelay $0x1  }
0x3b: {  	v19 =	vmul.f32 v18, v17;
	_ =	sdelay $0x1  }
0x3c: {  	v19 =	vmul.f32 v19, v18;
	_ =	sdelay $0x1  }
0x3d: {  	v19 =	vsub.f32 $1.500000000e+00, v19;
	_ =	sdelay $0x1  }
0x3e: {  	v18 =	vmul.f32 v19, v18;
	_ =	sdelay $0x1  }
0x3f: {  	v17 =	vmul.f32 v18, v17;
	_ =	sdelay $0x1  }
0x40: {  	v17 =	vmul.f32 v17, v18;
	_ =	sdelay $0x1  }
0x41: {  	v17 =	vsub.f32 $1.500000000e+00, v17;
	_ =	sdelay $0x1  }
0x42: {  	v17 =	vmul.f32 v17, v18  }
0x43: {  	s30 =	simm.s32 $0x6080  }
0x44: {  	v19 =	vld [tilespmem:s30+$0x70];
	v22 =	vperm.xlane v17, v15  }
0x45: {  	v20 =	vld [tilespmem:s30+$0x60];
	v24 =	vperm.xlane v17, v14;
	v26 =	vperm.xlane v17, v13  }
0x46: {  	v21 =	vld [tilespmem:s30+$0x40];
	v27 =	vperm.xlane v17, v12;
	v48 =	vperm.xlane v17, v11  }
0x47: {  	v23 =	vld [tilespmem:s30+$0x30];
	v49 =	vperm.xlane v17, v10;
	v28 =	vperm.xlane v17, v9  }
0x48: {  	v25 =	vld [tilespmem:s30+$0x20];
	v51 =	vperm.xlane v17, v8;
	v53 =	vperm.xlane v17, v7  }
0x49: {  	v18 =	vld [tilespmem:s30+$0x50];
	v55 =	vperm.xlane v17, v6;
	v19 =	vmul.f32 v19, v22  }
0x4a: {  	v46 =	vld [tilespmem:s30+$0x10];
	v57 =	vperm.xlane v17, v5;
	v20 =	vmul.f32 v20, v24  }
0x4b: {  	v47 =	vld [tilespmem:s30+$0x0];
	v59 =	vperm.xlane v17, v4;
	v21 =	vmul.f32 v21, v27;
	[tilespmem:s30+$0x70] =	vst v19  }
0x4c: {  	v60 =	vld [tilespmem:s30+$0xFFFFFF80];
	v61 =	vperm.xlane v17, v3;
	v23 =	vmul.f32 v23, v48;
	[tilespmem:s30+$0x60] =	vst v20  }
0x4d: {  	v50 =	vld [tilespmem:s30+$0xFFFFFFE0];
	v62 =	vperm.xlane v17, v2;
	v25 =	vmul.f32 v25, v49;
	[tilespmem:s30+$0x40] =	vst v21  }
0x4e: {  	v54 =	vld [tilespmem:s30+$0xFFFFFFB0];
	v63 =	vperm.xlane v17, v0;
	v18 =	vmul.f32 v18, v26;
	[tilespmem:s30+$0x30] =	vst v23  }
0x4f: {  	v17 =	vperm.xlane v17, v1;
	v22 =	vmul.f32 v46, v28;
	v19 =	vld [tilespmem:s30+$0xFFFFFFF0];
	[tilespmem:s30+$0x20] =	vst v25  }
0x50: {  	v24 =	vmul.f32 v47, v51;
	[tilespmem:s30+$0x50] =	vst v18;
	v18 =	vld [tilespmem:s30+$0xFFFFFFD0]  }
0x51: {  	v52 =	vld [tilespmem:s30+$0xFFFFFFC0];
	v17 =	vmul.f32 v60, v17;
	[tilespmem:s30+$0x10] =	vst v22  }
0x52: {  	v56 =	vld [tilespmem:s30+$0xFFFFFFA0];
	v20 =	vmul.f32 v50, v55;
	[tilespmem:s30+$0x0] =	vst v24  }
0x53: {  	v58 =	vld [tilespmem:s30+$0xFFFFFF90];
	v23 =	vmul.f32 v54, v61;
	[tilespmem:s30+$0xFFFFFF80] =	vst v17  }
0x54: {  	[tilespmem:s30+$0xFFFFFFE0] =	vst v20;
	v19 =	vmul.f32 v19, v53  }
0x55: {  	[tilespmem:s30+$0xFFFFFFB0] =	vst v23;
	v18 =	vmul.f32 v18, v57  }
0x56: {  	[tilespmem:s30+$0xFFFFFFF0] =	vst v19;
	v19 =	vmul.f32 v52, v59  }
0x57: {  	[tilespmem:s30+$0xFFFFFFD0] =	vst v18;
	v18 =	vmul.f32 v56, v62  }
0x58: {  	[tilespmem:s30+$0xFFFFFFC0] =	vst v19;
	v19 =	vmul.f32 v58, v63  }
0x59: {  	[tilespmem:s30+$0xFFFFFFA0] =	vst v18  }
0x5a: {  	s1 =	simm.s32 $0x10;
	[tilespmem:s30+$0xFFFFFF90] =	vst v19  }
0x5b: {  	s31 =	simm.s32 $0x80;
	v17 =	vld [tilespmem:s1+$0x8A80]  }
.LBB2_2:
0x5c: {  	p0 =	sne.s32 s31, $0x9C0;
	v18 =	vld [tilespmem:s1+$0x8800];
	_ =	sdelay $0x4  }
0x5d: {  	v17 =	vadd.f32 v17, v18;
	_ =	sdelay $0x1  }
0x5e: {  	v17 =	vadd.f32 $1.000000000e+00, v17;
	_ =	sdelay $0x1  }
0x5f: {  	v18 =	vshra.s32 v17, $0x1;
	v17 =	vmul.f32 $5.000000000e-01, v17  }
0x60: {  	v18 =	vsub.s32 $0x5F3759DF, v18  }
0x61: {  	v19 =	vmul.f32 v18, v17;
	_ =	sdelay $0x1  }
0x62: {  	v19 =	vmul.f32 v18, v19;
	_ =	sdelay $0x1  }
0x63: {  	v19 =	vsub.f32 $1.500000000e+00, v19;
	_ =	sdelay $0x1  }
0x64: {  	v18 =	vmul.f32 v18, v19;
	_ =	sdelay $0x1  }
0x65: {  	v19 =	vmul.f32 v18, v17;
	_ =	sdelay $0x1  }
0x66: {  	v19 =	vmul.f32 v19, v18;
	_ =	sdelay $0x1  }
0x67: {  	v19 =	vsub.f32 $1.500000000e+00, v19;
	_ =	sdelay $0x1  }
0x68: {  	v18 =	vmul.f32 v19, v18;
	_ =	sdelay $0x1  }
0x69: {  	v17 =	vmul.f32 v18, v17;
	_ =	sdelay $0x1  }
0x6a: {  	s30 =	sadd.s32 $0x100, s30;
	v17 =	vmul.f32 v17, v18  }
0x6b: {  	v19 =	vld [tilespmem:s30+$0x70]  }
0x6c: {  	v17 =	vsub.f32 $1.500000000e+00, v17;
	v20 =	vld [tilespmem:s30+$0x60]  }
0x6d: {  	v21 =	vld [tilespmem:s30+$0x50]  }
0x6e: {  	v17 =	vmul.f32 v17, v18;
	v18 =	vld [tilespmem:s30+$0x40]  }
0x6f: {  	v22 =	vld [tilespmem:s30+$0x30]  }
0x70: {  	v23 =	vld [tilespmem:s30+$0x20];
	v24 =	vperm.xlane v17, v14;
	v25 =	vperm.xlane v17, v15  }
0x71: {  	v27 =	vperm.xlane v17, v12;
	v28 =	vperm.xlane v17, v13;
	v26 =	vld [tilespmem:s30+$0x10]  }
0x72: {  	v29 =	vld [tilespmem:s30+$0x0];
	v20 =	vmul.f32 v20, v24;
	v19 =	vmul.f32 v19, v25  }
0x73: {  	v21 =	vmul.f32 v21, v28;
	v24 =	vld [tilespmem:s30+$0xFFFFFFF0];
	v18 =	vmul.f32 v18, v27  }
0x74: {  	v28 =	vperm.xlane v17, v11;
	v27 =	vperm.xlane v17, v10;
	v25 =	vld [tilespmem:s30+$0xFFFFFFE0];
	[tilespmem:s30+$0x70] =	vst v19  }
0x75: {  	v30 =	vperm.xlane v17, v8;
	v31 =	vperm.xlane v17, v9;
	v19 =	vld [tilespmem:s30+$0xFFFFFFD0];
	[tilespmem:s30+$0x60] =	vst v20  }
0x76: {  	v22 =	vmul.f32 v22, v28;
	v23 =	vmul.f32 v23, v27;
	v20 =	vld [tilespmem:s30+$0xFFFFFFC0];
	[tilespmem:s30+$0x50] =	vst v21  }
0x77: {  	v26 =	vmul.f32 v26, v31;
	v21 =	vld [tilespmem:s30+$0xFFFFFFB0];
	v27 =	vmul.f32 v29, v30;
	[tilespmem:s30+$0x40] =	vst v18  }
0x78: {  	v28 =	vperm.xlane v17, v6;
	v29 =	vperm.xlane v17, v7;
	v18 =	vld [tilespmem:s30+$0xFFFFFFA0];
	[tilespmem:s30+$0x30] =	vst v22  }
0x79: {  	v31 =	vperm.xlane v17, v5;
	v30 =	vperm.xlane v17, v4;
	v22 =	vld [tilespmem:s30+$0xFFFFFF90];
	[tilespmem:s30+$0x20] =	vst v23  }
0x7a: {  	v25 =	vmul.f32 v25, v28;
	v24 =	vmul.f32 v24, v29;
	v23 =	vld [tilespmem:s30+$0xFFFFFF80];
	[tilespmem:s30+$0x10] =	vst v26  }
0x7b: {  	v19 =	vmul.f32 v19, v31;
	v20 =	vmul.f32 v20, v30;
	[tilespmem:s30+$0x0] =	vst v27  }
0x7c: {  	v26 =	vperm.xlane v17, v2;
	v27 =	vperm.xlane v17, v3;
	[tilespmem:s30+$0xFFFFFFF0] =	vst v24  }
0x7d: {  	v24 =	vperm.xlane v17, v1;
	v17 =	vperm.xlane v17, v0;
	[tilespmem:s30+$0xFFFFFFE0] =	vst v25  }
0x7e: {  	v18 =	vmul.f32 v18, v26;
	v21 =	vmul.f32 v21, v27;
	[tilespmem:s30+$0xFFFFFFD0] =	vst v19  }
0x7f: {  	v17 =	vmul.f32 v22, v17;
	v19 =	vmul.f32 v23, v24;
	[tilespmem:s30+$0xFFFFFFC0] =	vst v20  }
.Ltmp2:
0x80: {  	[tilespmem:s30+$0xFFFFFFB0] =	vst v21;
	(pc) =	sbr.rel @p0 .LBB2_2-.Ltmp2, $4  }
0x81: {  	[tilespmem:s30+$0xFFFFFFA0] =	vst v18  }
0x82: {  	[tilespmem:s30+$0xFFFFFF90] =	vst v17  }
0x83: {  	s1 =	sshra.s32 s31, $0x2;
	[tilespmem:s30+$0xFFFFFF80] =	vst v19  }
0x84: {  	s31 =	sadd.s32 $0x40, s31;
	v17 =	vld [tilespmem:s1+$0x8A80]  }
0x85: {  	v18 =	vld [tilespmem:s1+$0x8800];
	_ =	sdelay $0x4  }
0x86: {  	v17 =	vadd.f32 v17, v18;
	_ =	sdelay $0x1  }
0x87: {  	v17 =	vadd.f32 $1.000000000e+00, v17;
	_ =	sdelay $0x1  }
0x88: {  	v18 =	vshra.s32 v17, $0x1;
	v17 =	vmul.f32 $5.000000000e-01, v17  }
0x89: {  	v18 =	vsub.s32 $0x5F3759DF, v18  }
0x8a: {  	v19 =	vmul.f32 v18, v17;
	_ =	sdelay $0x1  }
0x8b: {  	v19 =	vmul.f32 v18, v19;
	_ =	sdelay $0x1  }
0x8c: {  	v19 =	vsub.f32 $1.500000000e+00, v19;
	_ =	sdelay $0x1  }
0x8d: {  	v18 =	vmul.f32 v18, v19;
	_ =	sdelay $0x1  }
0x8e: {  	v19 =	vmul.f32 v18, v17;
	_ =	sdelay $0x1  }
0x8f: {  	v19 =	vmul.f32 v19, v18;
	_ =	sdelay $0x1  }
0x90: {  	v19 =	vsub.f32 $1.500000000e+00, v19;
	_ =	sdelay $0x1  }
0x91: {  	v18 =	vmul.f32 v19, v18;
	_ =	sdelay $0x1  }
0x92: {  	v17 =	vmul.f32 v18, v17;
	_ =	sdelay $0x1  }
0x93: {  	v17 =	vmul.f32 v17, v18;
	_ =	sdelay $0x1  }
0x94: {  	v17 =	vsub.f32 $1.500000000e+00, v17;
	_ =	sdelay $0x1  }
0x95: {  	v17 =	vmul.f32 v17, v18  }
0x96: {  	s30 =	sadd.s32 $0x100, s30  }
0x97: {  	v19 =	vld [tilespmem:s30+$0x70];
	v22 =	vperm.xlane v17, v15  }
0x98: {  	v20 =	vld [tilespmem:s30+$0x60];
	v24 =	vperm.xlane v17, v14;
	v26 =	vperm.xlane v17, v13  }
0x99: {  	v21 =	vld [tilespmem:s30+$0x40];
	v27 =	vperm.xlane v17, v12;
	v48 =	vperm.xlane v17, v11  }
0x9a: {  	v23 =	vld [tilespmem:s30+$0x30];
	v49 =	vperm.xlane v17, v10;
	v28 =	vperm.xlane v17, v9  }
0x9b: {  	v25 =	vld [tilespmem:s30+$0x20];
	v51 =	vperm.xlane v17, v8;
	v53 =	vperm.xlane v17, v7  }
0x9c: {  	v18 =	vld [tilespmem:s30+$0x50];
	v55 =	vperm.xlane v17, v6;
	v19 =	vmul.f32 v19, v22  }
0x9d: {  	v46 =	vld [tilespmem:s30+$0x10];
	v57 =	vperm.xlane v17, v5;
	v20 =	vmul.f32 v20, v24  }
0x9e: {  	v47 =	vld [tilespmem:s30+$0x0];
	v59 =	vperm.xlane v17, v4;
	v21 =	vmul.f32 v21, v27;
	[tilespmem:s30+$0x70] =	vst v19  }
0x9f: {  	v60 =	vld [tilespmem:s30+$0xFFFFFF80];
	v61 =	vperm.xlane v17, v3;
	v23 =	vmul.f32 v23, v48;
	[tilespmem:s30+$0x60] =	vst v20  }
0xa0: {  	v50 =	vld [tilespmem:s30+$0xFFFFFFE0];
	v62 =	vperm.xlane v17, v2;
	v25 =	vmul.f32 v25, v49;
	[tilespmem:s30+$0x40] =	vst v21  }
0xa1: {  	v54 =	vld [tilespmem:s30+$0xFFFFFFB0];
	v63 =	vperm.xlane v17, v0;
	v18 =	vmul.f32 v18, v26;
	[tilespmem:s30+$0x30] =	vst v23  }
0xa2: {  	v17 =	vperm.xlane v17, v1;
	v22 =	vmul.f32 v46, v28;
	v19 =	vld [tilespmem:s30+$0xFFFFFFF0];
	[tilespmem:s30+$0x20] =	vst v25  }
0xa3: {  	v24 =	vmul.f32 v47, v51;
	[tilespmem:s30+$0x50] =	vst v18;
	v18 =	vld [tilespmem:s30+$0xFFFFFFD0]  }
0xa4: {  	v52 =	vld [tilespmem:s30+$0xFFFFFFC0];
	v17 =	vmul.f32 v60, v17;
	[tilespmem:s30+$0x10] =	vst v22  }
0xa5: {  	v56 =	vld [tilespmem:s30+$0xFFFFFFA0];
	v20 =	vmul.f32 v50, v55;
	[tilespmem:s30+$0x0] =	vst v24  }
0xa6: {  	v58 =	vld [tilespmem:s30+$0xFFFFFF90];
	v23 =	vmul.f32 v54, v61;
	[tilespmem:s30+$0xFFFFFF80] =	vst v17  }
0xa7: {  	[tilespmem:s30+$0xFFFFFFE0] =	vst v20;
	v19 =	vmul.f32 v19, v53  }
0xa8: {  	[tilespmem:s30+$0xFFFFFFB0] =	vst v23;
	v18 =	vmul.f32 v18, v57  }
0xa9: {  	[tilespmem:s30+$0xFFFFFFF0] =	vst v19;
	v19 =	vmul.f32 v52, v59  }
0xaa: {  	[tilespmem:s30+$0xFFFFFFD0] =	vst v18;
	v18 =	vmul.f32 v56, v62  }
0xab: {  	[tilespmem:s30+$0xFFFFFFC0] =	vst v19;
	v19 =	vmul.f32 v58, v63  }
0xac: {  	[tilespmem:s30+$0xFFFFFFA0] =	vst v18  }
0xad: {  	[tilespmem:s30+$0xFFFFFF90] =	vst v19  }
0xae: {  	[spmem:s10] =	stream.linear.scatter [tilespmem:s16], [sflag:$0x5], $0x2800, $0x38;
	[tilespmem:$0xDD00] =	vst v63  }
0xaf: {  	_ =	swait.ge [sflag:s14], $0x2800  }
0xb0: {  	[sflag:s14] =	ssyncset.done $0x0  }
0xb1: {  	s1 =	simm.s32 $0x0;
	s30 =	simm.s32 $0x40;
	[sflag:s14] =	ssyncadd.s32 $0xFFFFD800  }
.LBB2_4:
0xb2: {  	p0 =	sne.s32 s30, $0x9FC0;
	[tilespmem:s1+$0x6000] =	vst v16;
	s1 =	smov.u32 s30;
	s30 =	sadd.s32 $0x40, s30  }
.Ltmp3:
0xb3: {  	(pc) =	sbr.rel @p0 .LBB2_4-.Ltmp3, $2  }
0xb4: {  	_ =	sdelay $0x2  }
0xb5: {  	s1 =	sshra.s32 s1, $0x2  }
0xb6: {  	[tilespmem:s1+$0x6000] =	vst v16  }
0xb7: {  	[spmem:s11] =	stream.linear.scatter [tilespmem:s16], [sflag:$0x5], $0x2800, $0x38;
	[tilespmem:$0xDD00] =	vst v63  }
0xb8: {  	_ =	swait.ge [sflag:s14], $0x2800  }
0xb9: {  	[sflag:s14] =	ssyncset.done $0x0  }
0xba: {  	[sflag:s14] =	ssyncadd.s32 $0xFFFFD800  }
0xbb: {  	[bflag:$0x0] =	sbarrier.arrive $0xFFFF  }
0xbc: {  	[tilespmem:s20], [sflag:$0x1] =	stream.indirect.gather [spmem:s2], $0x10, s4, s19, $0xb8;
	[tilespmem:$0xDD00] =	vst v63  }
0xbd: {  	_ =	swait.ge [sflag:s21], $0x800  }
0xbe: {  	[sflag:s21] =	ssyncset.done $0x0  }
0xbf: {  	[sflag:s21] =	ssyncadd.s32 $0xFFFFF800  }
0xc0: {  	[tilespmem:s22], [sflag:$0x2] =	stream.indirect.gather [spmem:s2], $0x10, s19, s19, $0xb8;
	[tilespmem:$0xDD00] =	vst v63  }
0xc1: {  	_ = 	snop  }
0xc2: {  	[spmem:s3] =	stream.indirect.scatter.add.f32 [tilespmem:s20], [sflag:$0x3], $0x10, s15, s19, $0xb8;
	[tilespmem:$0xDD00] =	vst v63  }
0xc3: {  	_ =	swait.ge [sflag:s23], $0x800  }
0xc4: {  	[sflag:s23] =	ssyncset.done $0x0  }
0xc5: {  	[sflag:s23] =	ssyncadd.s32 $0xFFFFF800  }
0xc6: {  	_ =	swait.ge [sflag:s24], $0x800  }
0xc7: {  	[sflag:s24] =	ssyncset.done $0x0  }
0xc8: {  	[sflag:s24] =	ssyncadd.s32 $0xFFFFF800  }
0xc9: {  	[tilespmem:s20], [sflag:$0x1] =	stream.indirect.gather [spmem:s2], $0x10, s25, s19, $0xb8;
	[tilespmem:$0xDD00] =	vst v63  }
0xca: {  	s30 =	simm.s32 $0xFFFF6800  }
0xcb: {  	[spmem:s3] =	stream.indirect.scatter.add.f32 [tilespmem:s22], [sflag:$0x4], $0x10, s26, s19, $0xb8;
	[tilespmem:$0xDD00] =	vst v63  }
.LBB2_6:
0xcc: {  	_ =	swait.ge [sflag:s21], $0x800  }
0xcd: {  	[sflag:s21] =	ssyncset.done $0x0  }
0xce: {  	[sflag:s21] =	ssyncadd.s32 $0xFFFFF800  }
0xcf: {  	_ =	swait.ge [sflag:s28], $0x800  }
0xd0: {  	s31 =	sshra.s32 s30, $0x2;
	[sflag:s28] =	ssyncset.done $0x0  }
0xd1: {  	s1 =	sadd.s32 $0x2780, s31;
	[sflag:s28] =	ssyncadd.s32 $0xFFFFF800  }
0xd2: {  	[tilespmem:s22], [sflag:$0x2] =	stream.indirect.gather [spmem:s2], $0x10, s1, s19, $0xb8;
	[tilespmem:$0xDD00] =	vst v63  }
0xd3: {  	s1 =	sadd.s32 $0x4F00, s31  }
0xd4: {  	[spmem:s3] =	stream.indirect.scatter.add.f32 [tilespmem:s20], [sflag:$0x3], $0x10, s1, s19, $0xb8;
	[tilespmem:$0xDD00] =	vst v63  }
0xd5: {  	p0 =	seq.s32 s30, $0x0;
	_ =	swait.ge [sflag:s23], $0x800  }
.Ltmp4:
0xd6: {  	[sflag:s23] =	ssyncset.done $0x0;
	(pc) =	sbr.rel @p0 .LBB2_8-.Ltmp4, $4  }
0xd7: {  	[sflag:s23] =	ssyncadd.s32 $0xFFFFF800  }
0xd8: {  	_ =	swait.ge [sflag:s24], $0x800  }
0xd9: {  	[sflag:s24] =	ssyncset.done $0x0  }
0xda: {  	s1 =	sadd.s32 $0x4F80, s31;
	[sflag:s24] =	ssyncadd.s32 $0xFFFFF800  }
.Ltmp5:
0xdb: {  	(pc) =	sbr.rel .LBB2_6-.Ltmp5, $4  }
0xdc: {  	s31 =	sadd.s32 $0x2800, s31  }
0xdd: {  	[tilespmem:s20], [sflag:$0x1] =	stream.indirect.gather [spmem:s2], $0x10, s31, s19, $0xb8;
	[tilespmem:$0xDD00] =	vst v63  }
0xde: {  	s30 =	sadd.s32 $0x400, s30  }
0xdf: {  	[spmem:s3] =	stream.indirect.scatter.add.f32 [tilespmem:s22], [sflag:$0x4], $0x10, s1, s19, $0xb8;
	[tilespmem:$0xDD00] =	vst v63  }
.LBB2_9:
0xe0: {  	_ =	sfence.sel $0x180000  }
0xe1: {  	[bflag:$0x0] =	sbarrier.arrive $0xFFFF  }
0xe2: {  	_ =	strace $0x9000004A  }
0xe3: {  	[bflag:$0x2] =	sbarrier.arrive $0xFFFF  }
0xe4: {  	p0 =	sne.s32 s0, $0x0;
	s0 =	rddreg [dreg:$0x4]  }
0xe5: {  	s0 =	sadd.s32 @!p0 $0x100000, s0  }
0xe6: {  	[sflag:s0] =	ssyncadd.tile.s32 @!p0 $0x1;
	_ =	shalt  }
.Lfunc_end2:
_tile_overlayer_lowered:
.L_overlay_start_2:
0xe7: {  	(tag) =	ssettag $0x2  }
0xe8: {  	s0 =	rddreg [dreg:$0x0];
	s2 =	stileid.u32  }
0xe9: {  	s1 =	rddreg [dreg:$0x1];
	p0 =	sne.s32 s2, $0x0  }
0xea: {  	s3 =	rddreg [dreg:$0x2];
	[bflag:$0x3] =	sbarrier.arrive $0xFFFF;
	s2 =	simm.s32 @!p0 $0x1C05  }
0xeb: {  	[timem:s3], [sflag:s2] =	dma.local @!p0 [hbm:s0], s1  }
0xec: {  	s0 =	simm.s32 @!p0 $0x5  }
0xed: {  	_ =	swait.ge @!p0 [sflag:s0], s1  }
0xee: {  	s1 =	ssub.s32 @!p0 $0x0, s1;
	[sflag:s0] =	ssyncset.done @!p0 $0x0  }
0xef: {  	[sflag:s0] =	ssyncadd.s32 @!p0 s1  }
0xf0: {  	[bflag:$0x3] =	sbarrier.arrive $0xFFFF  }
0xf1: {  	_ =	shalt  }

// kernel: kernel.14.cloned.1.call-start
scs
__scs_entry_jumppad:
0x0: {  	(pc) =	sbr.rel $0x88, $3  }
0x1: {  	(tag) =	ssettag $0x0;
	lr =	simm.s32 $0x1  }
0x2: {  	[smem:$0x3F99] =	sst lr;
	_ =	strace $0xD0000000  }
0x3: {  	_ = 	snop  }
0x4: {  	_ = 	snop  }
0x5: {  	_ = 	snop  }
0x6: {  	_ = 	snop  }
0x7: {  	_ = 	snop  }
__scs_overlays_trampoline_lowered:
0x8: {  	[smem:$0x3FA8] =	sst s0  }
0x9: {  	[smem:$0x3FA9] =	sst s1  }
0xa: {  	[smem:$0x3FAA] =	sst s2  }
0xb: {  	[smem:$0x3FAB] =	sst s3  }
0xc: {  	[smem:$0x3FAC] =	sst s4  }
0xd: {  	[smem:$0x3FAD] =	sst s5  }
0xe: {  	[smem:$0x3FAE] =	sst s6  }
0xf: {  	[smem:$0x3FAF] =	sst s7  }
0x10: {  	[smem:$0x3FB0] =	sst s8  }
0x11: {  	[smem:$0x3FB1] =	sst s9;
	s0 =	simm.s32 @!p0 $0x0  }
0x12: {  	s1 =	sld [smem:$0x3F97];
	s0 =	simm.s32 @p0 $0x1  }
0x13: {  	[smem:$0x3FB2] =	sst s0;
	s0 =	simm.s32 @!p1 $0x0  }
0x14: {  	s2 =	sld [smem:$0x3F96];
	s0 =	simm.s32 @p1 $0x1  }
0x15: {  	[smem:$0x3FB3] =	sst s0;
	s0 =	simm.s32 @!p2 $0x0  }
0x16: {  	s3 =	sld [smem:$0x3FDB];
	s0 =	simm.s32 @p2 $0x1  }
0x17: {  	s4 =	simm.s32 $0x1BF5;
	[smem:$0x3FB5] =	sst s0  }
0x18: {  	s0 =	sld [smem:$0x3F98];
	_ =	swait.ge [sflag:s4], $0x0  }
0x19: {  	s7 =	sld [smem:$0x3F99]  }
0x1a: {  	s8 =	sadd.s32 $0xFFFFE003, lr  }
0x1b: {  	s9 =	sadd.s32 $0xFFFFFEF7, lr;
	s5 =	simm.s32 $0xFFFFFFFF;
	p2 =	slt.u32 s8, $0xFFFFF086  }
0x1c: {  	p1 =	slt.u32 s9, $0xF7A;
	s5 =	simm.s32 @!p2 $0x0  }
0x1d: {  	s5 =	simm.s32 @p1 $0x1;
	p0 =	seq.s32 s7, s2  }
0x1e: {  	s7 =	smul.u32 @!p0 $0xF7A, s2;
	p2 =	seq.s32 @!p0 s5, $0x0  }
0x1f: {  	s9 =	smul.u32 $0xF7A, s1;
	s8 =	simm.s32 @!p0 $0x1BF5;
	p2 =	por !p2, p0  }
0x20: {  	[sflag:s8] =	ssyncset.s32 @!p0 $0xFFFFF086;
	s6 =	sadd.s32 @!p0 s3, s7;
	s7 =	simm.s32 @!p0 $0x108  }
0x21: {  	s3 =	sadd.s32 s3, s9;
	s6 =	sadd.s32 @!p0 $0x88, s6;
	s7 =	simm.s32 @p2 $0x1082  }
0x22: {  	[simem:s7], [sflag:s8] =	dma.local @!p0 [hbm:s6], $0xF7A  }
0x23: {  	s9 =	sor.u32 $0xD0000000, s2;
	s6 =	simm.s32 $0x108;
	_ =	swait.ge @!p0 [sflag:s8], $0x0  }
0x24: {  	s3 =	sadd.s32 $0x88, s3;
	s6 =	simm.s32 @!p1 $0x1082;
	[sflag:s4] =	ssyncset.s32 $0xFFFFF086  }
0x25: {  	[simem:s6], [sflag:s4] =	dma.local [hbm:s3], $0xF7A  }
0x26: {  	[smem:$0x3F99] =	sst s1;
	(tag) =	ssettag s2;
	_ =	strace s9  }
0x27: {  	s1 =	sld [smem:$0x3FA9]  }
0x28: {  	s2 =	sld [smem:$0x3FAA]  }
0x29: {  	s4 =	sld [smem:$0x3FAC]  }
0x2a: {  	p0 =	seq.s32 s5, $0x0;
	s5 =	sld [smem:$0x3FAD]  }
0x2b: {  	s6 =	sld [smem:$0x3FAE]  }
0x2c: {  	s7 =	sld [smem:$0x3FAF]  }
0x2d: {  	s3 =	simm.s32 $0x108;
	s8 =	sld [smem:$0x3FB0]  }
0x2e: {  	s3 =	simm.s32 @!p0 $0x1082;
	s9 =	sld [smem:$0x3FB1]  }
0x2f: {  	lr =	sadd.s32 s0, s3;
	s0 =	sld [smem:$0x3FA8]  }
0x30: {  	s3 =	sld [smem:$0x3FAB]  }
0x31: {  	[smem:$0x3FB4] =	sst s10  }
0x32: {  	s10 =	sld [smem:$0x3FB2];
	_ =	sdelay $0x3  }
0x33: {  	p0 =	seq.s32 s10, $0x1;
	s10 =	sld [smem:$0x3FB4];
	_ =	sdelay $0x3  }
0x34: {  	[smem:$0x3FB4] =	sst s10  }
0x35: {  	s10 =	sld [smem:$0x3FB3];
	_ =	sdelay $0x3  }
0x36: {  	p1 =	seq.s32 s10, $0x1;
	s10 =	sld [smem:$0x3FB4];
	_ =	sdelay $0x3  }
0x37: {  	[smem:$0x3FB4] =	sst s10  }
0x38: {  	s10 =	sld [smem:$0x3FB5]  }
0x39: {  	_ = 	snop;
	(pc) =	sbr.ind lr, $3  }
0x3a: {  	_ = 	snop  }
0x3b: {  	_ = 	snop  }
0x3c: {  	p2 =	seq.s32 s10, $0x1;
	s10 =	sld [smem:$0x3FB4]  }
0x3d: {  	_ =	shalt  }
0x3e: {  	_ =	shalt  }
0x3f: {  	_ =	shalt  }
0x40: {  	_ =	shalt  }
0x41: {  	_ =	shalt  }
0x42: {  	_ =	shalt  }
0x43: {  	_ =	shalt  }
0x44: {  	_ =	shalt  }
0x45: {  	_ =	shalt  }
0x46: {  	_ =	shalt  }
0x47: {  	_ =	shalt  }
0x48: {  	_ =	shalt  }
0x49: {  	_ =	shalt  }
0x4a: {  	_ =	shalt  }
0x4b: {  	_ =	shalt  }
0x4c: {  	_ =	shalt  }
0x4d: {  	_ =	shalt  }
0x4e: {  	_ =	shalt  }
0x4f: {  	_ =	shalt  }
0x50: {  	_ =	shalt  }
0x51: {  	_ =	shalt  }
0x52: {  	_ =	shalt  }
0x53: {  	_ =	shalt  }
0x54: {  	_ =	shalt  }
0x55: {  	_ =	shalt  }
0x56: {  	_ =	shalt  }
0x57: {  	_ =	shalt  }
0x58: {  	_ =	shalt  }
0x59: {  	_ =	shalt  }
0x5a: {  	_ =	shalt  }
0x5b: {  	_ =	shalt  }
0x5c: {  	_ =	shalt  }
0x5d: {  	_ =	shalt  }
0x5e: {  	_ =	shalt  }
0x5f: {  	_ =	shalt  }
0x60: {  	_ =	shalt  }
0x61: {  	_ =	shalt  }
0x62: {  	_ =	shalt  }
0x63: {  	_ =	shalt  }
0x64: {  	_ =	shalt  }
0x65: {  	_ =	shalt  }
0x66: {  	_ =	shalt  }
0x67: {  	_ =	shalt  }
0x68: {  	_ =	shalt  }
0x69: {  	_ =	shalt  }
0x6a: {  	_ =	shalt  }
0x6b: {  	_ =	shalt  }
0x6c: {  	_ =	shalt  }
0x6d: {  	_ =	shalt  }
0x6e: {  	_ =	shalt  }
0x6f: {  	_ =	shalt  }
0x70: {  	_ =	shalt  }
0x71: {  	_ =	shalt  }
0x72: {  	_ =	shalt  }
0x73: {  	_ =	shalt  }
0x74: {  	_ =	shalt  }
0x75: {  	_ =	shalt  }
0x76: {  	_ =	shalt  }
0x77: {  	_ =	shalt  }
0x78: {  	_ =	shalt  }
0x79: {  	_ =	shalt  }
0x7a: {  	_ =	shalt  }
0x7b: {  	_ =	shalt  }
0x7c: {  	_ =	shalt  }
0x7d: {  	_ =	shalt  }
0x7e: {  	_ =	shalt  }
0x7f: {  	_ =	shalt  }
0x80: {  	_ =	shalt  }
0x81: {  	_ =	shalt  }
0x82: {  	_ =	shalt  }
0x83: {  	_ =	shalt  }
0x84: {  	_ =	shalt  }
0x85: {  	_ =	shalt  }
0x86: {  	_ =	shalt  }
0x87: {  	_ =	shalt  }
.Lfunc_end0:
.L_simem_size_0:
called_computation.2_lowered:
.L_overlay_start_0:
0x88: {  	s2 =	sld [smem:$0x3FD9]  }
0x89: {  	s3 =	sld [smem:$0x3FFE];
	_ =	sdelay $0x1  }
0x8a: {  	s1 =	srdreg.scid  }
0x8b: {  	s0 =	sand.u32 $0x1, s1  }
0x8c: {  	s17 =	sshll.u32 s0, $0xA;
	s2 =	sadd.s32 s3, s2  }
0x8d: {  	s2 =	sadd.s32 s2, s17  }
0x8e: {  	[smem:$0x3FC0] =	sst s2  }
0x8f: {  	_ = 	snop  }
0x90: {  	s2 =	sld [smem:$0x3FD0];
	(tm) =	ssettm $0x1  }
0x91: {  	s18 =	sld [smem:$0x3FFB];
	_ =	sdelay $0x3  }
0x92: {  	_ =	strace s18  }
0x93: {  	s3 =	sld [smem:$0x3FFC];
	_ =	sdelay $0x3  }
0x94: {  	_ =	strace s3  }
0x95: {  	s3 =	sld [smem:$0x3FFD];
	_ =	sdelay $0x3  }
0x96: {  	_ =	strace s3  }
0x97: {  	_ =	strace $0x8FFFFFFF  }
0x98: {  	s19 =	sld [smem:$0x3FDB];
	_ =	sdelay $0x1  }
0x99: {  	s4 =	simm.s32 $_scs_section_size  }
0x9a: {  	s5 =	simm.s32 $_size__tile_overlayer_lowered;
	s6 =	simm.s32 $_tile_overlayer_lowered  }
0x9b: {  	s22 =	simm.s32 $0x1BFF;
	s21 =	sshll.u32 s6, $0x1;
	s3 =	sadd.s32 s4, s19  }
0x9c: {  	s7 =	simm.s32 $0x0;
	s20 =	sshll.u32 s5, $0x1;
	s5 =	sadd.s32 s21, s3  }
0x9d: {  	[timem:s7], [sflag:s22] =	dma.local [hbm:s5], s20  }
0x9e: {  	_ =	swait.ge [sflag:s22], s20  }
0x9f: {  	s4 =	ssub.s32 $0x0, s20;
	[sflag:s22] =	ssyncset.done $0x0  }
0xa0: {  	[sflag:s22] =	ssyncadd.s32 s4;
	_ =	sdelay $0x1  }
0xa1: {  	s23 =	simm.s32 $0x1B8B  }
0xa2: {  	_ =	swait.ge [sflag:s23], $0x1  }
0xa3: {  	[sflag:s23] =	ssyncset.done $0x0  }
0xa4: {  	s25 =	simm.s32 $0x1B8E;
	s24 =	sld [smem:$0x3FFE];
	[sflag:s23] =	ssyncadd.s32 $0xFFFFFFFF  }
0xa5: {  	s26 =	simm.s32 $execute0_lowered;
	[smem:$0x3FD2] =	sst s25  }
0xa6: {  	s5 =	sshll.u32 s26, $0x1;
	_ =	strace $0x8000004C;
	[dreg:$0x1] =	wrdreg $0xFFFFFFFF  }
0xa7: {  	s28 =	simm.s32 $_size_execute0_lowered;
	s3 =	sadd.s32 s3, s5;
	[dreg:$0x0] =	wrdreg $0x0  }
0xa8: {  	s5 =	sshll.u32 s28, $0x1;
	[dreg:$0x2] =	wrdreg s3  }
0xa9: {  	[dreg:$0x3] =	wrdreg s5  }
0xaa: {  	[dreg:$0x4] =	wrdreg $0xC0  }
0xab: {  	_ =	task [dreg:s7], $0x5FFFF  }
0xac: {  	[dreg:$0x1] =	wrdreg $0xFFFFFFFF  }
0xad: {  	[dreg:$0x0] =	wrdreg $0x60  }
0xae: {  	[dreg:$0x2] =	wrdreg s24  }
0xaf: {  	[dreg:$0x3] =	wrdreg s2  }
0xb0: {  	[dreg:$0x4] =	wrdreg $0x110000  }
0xb1: {  	[dreg:$0x5] =	wrdreg $0xC0000  }
0xb2: {  	[dreg:$0x6] =	wrdreg $0x9  }
0xb3: {  	_ =	task.clear_ibuf [dreg:s7], $0x7FFFF;
	_ =	strace $0x9000004C  }
0xb4: {  	s29 =	simm.s32 $0x9;
	_ =	strace $0x8000004E  }
0xb5: {  	_ =	swait.ge [sflag:s29], $0x1  }
0xb6: {  	[sflag:s29] =	ssyncadd.s32 $0xFFFFFFFF  }
0xb7: {  	_ =	strace $0x9000004E  }
0xb8: {  	_ =	sfence  }
0xb9: {  	s30 =	sld [smem:$0x0];
	_ =	sdelay $0x2  }
0xba: {  	s31 =	sshll.u32 s1, $0xD;
	s1 =	sshrl.u32 s1, $0x2  }
0xbb: {  	s3 =	sand.u32 $0x4000, s31;
	s1 =	sadd.s32 s1, s30  }
0xbc: {  	s0 =	sor.u32 s3, s0;
	s1 =	sshll.u32 s1, $0x11  }
0xbd: {  	s0 =	sor.u32 s1, s0  }
0xbe: {  	s0 =	sadd.s32 $0x8F2B, s0  }
0xbf: {  	[sflag:s0] =	ssyncadd.remote.s32 $0x1  }
0xc0: {  	_ =	sfence.sel $0xFFFF  }
0xc1: {  	[dreg:$0x0] =	wrdreg $0xFFFFFFFF;
	(pc) =	sbr.abs _section_cstart, $3  }
0xc2: {  	[dreg:$0x1] =	wrdreg $0xFFFFFFFF  }
0xc3: {  	_ =	task.clear_ibuf [dreg:s7], $0x2FFFF;
	_ =	strace $0x9FFFFFFF  }
0xc4: {  	(tm) =	ssettm $0x7FFFFFFF  }
0xc5: {  	_ =	shalt  }
tec
execute0_lowered:
.L_overlay_start_1:
0x0: {  	(tag) =	ssettag $0x1  }
0x1: {  	s5 =	rddreg [dreg:$0x0]  }
0x2: {  	s9 =	rddreg [dreg:$0x1]  }
0x3: {  	s1 =	rddreg [dreg:$0x2]  }
0x4: {  	s2 =	rddreg [dreg:$0x3]  }
0x5: {  	s3 =	srdreg.scid;
	s0 =	rddreg [dreg:$0x4];
	s4 =	simm.s32 $0x0  }
0x6: {  	s15 =	simm.s32 $0x7000;
	s16 =	simm.s32 $0x80;
	s17 =	simm.s32 $0x5000  }
0x7: {  	s18 =	simm.s32 $0x1;
	s19 =	simm.s32 $0x6000;
	s20 =	simm.s32 $0x2  }
0x8: {  	s21 =	simm.s32 $0x3;
	s22 =	simm.s32 $0x100;
	s23 =	simm.s32 $0x2880  }
0x9: {  	s24 =	simm.s32 $0x4;
	s26 =	simm.s32 $0x0;
	s6 =	sand.u32 $0x1, s3  }
0xa: {  	s3 =	stileid.u32;
	[smem:$0x7FF] =	sst s4;
	s7 =	sshll.u32 s6, $0x4  }
0xb: {  	s8 =	smul.u32 $0x5000, s3;
	_ =	strace $0x8000004D;
	s11 =	ssub.s32 $0x2, s6  }
0xc: {  	s6 =	smul.u32 $0x50000, s6;
	s13 =	sshll.u32 s3, $0x6;
	s7 =	sor.u32 s3, s7  }
0xd: {  	s31 =	sshrl.u32 s11, $0x1;
	s13 =	sor.u32 $0x1C05, s13;
	s7 =	smul.u32 $0x500, s7  }
0xe: {  	s10 =	sshrl.u32 s8, $0x3;
	s11 =	ssub.s32 s11, s31;
	s12 =	sadd.s32 s8, s6  }
.Ltmp0:
0xf: {  	s14 =	sadd.s32 s8, s1;
	s8 =	sadd.s32 s8, s2;
	(pc) =	sbr.rel .LBB2_1-.Ltmp0, $4  }
0x10: {  	s10 =	sadd.s32 s10, s5;
	s12 =	sshrl.u32 s12, $0x3;
	s14 =	sshrl.u32 s14, $0x3  }
0x11: {  	s25 =	sshrl.u32 s8, $0x3;
	s7 =	sadd.s32 s7, s5;
	s9 =	sadd.s32 s9, s12  }
0x12: {  	s12 =	simm.s32 $0x2800;
	s5 =	sadd.s32 $0xC600, s7;
	s6 =	sadd.s32 $0x2600, s7  }
0x13: {  	v0 =	vimm.f32 $0.0e+00;
	s7 =	sadd.s32 $0x17000, s10;
	s10 =	smax.u32 s11, $0x1;
	s11 =	simm.s32 $0x5  }
.LBB2_6:
0x14: {  	[spmem:s2] =	stream.indirect.scatter.add.f32 [tilespmem:s19], [sflag:$0x4], $0x20, s30, s16, $0xb8;
	[tilespmem:$0x16000] =	vst v63  }
0x15: {  	_ =	swait.ge [sflag:s24], $0x1000  }
0x16: {  	s26 =	sadd.s32 $0x1, s26;
	[sflag:s24] =	ssyncset.done $0x0  }
0x17: {  	p0 =	sne.s32 s26, s10;
	[sflag:s24] =	ssyncadd.s32 $0xFFFFF000  }
.Ltmp1:
0x18: {  	[bflag:$0x0] =	sbarrier.arrive $0xFFFF;
	(pc) =	sbr.rel @!p0 .LBB2_7-.Ltmp1, $4  }
0x19: {  	[hbm:s9], [sflag:s13] =	dma.local [spmem:s25], $0xA00  }
0x1a: {  	_ =	swait.ge [sflag:s11], $0xA00  }
0x1b: {  	[sflag:s11] =	ssyncset.done $0x0  }
0x1c: {  	[sflag:s11] =	ssyncadd.s32 $0xFFFFF600  }
.LBB2_1:
0x1d: {  	[tilespmem:s4], [sflag:$0x5] =	stream.linear.gather [hbm4b:s5+s4], $0x2800, $0x38;
	[tilespmem:$0x16000] =	vst v63  }
0x1e: {  	_ =	swait.ge [sflag:s11], $0x2800  }
0x1f: {  	[sflag:s11] =	ssyncset.done $0x0  }
0x20: {  	[sflag:s11] =	ssyncadd.s32 $0xFFFFD800  }
0x21: {  	[tilespmem:s12], [sflag:$0x5] =	stream.linear.gather [hbm4b:s6+s4], $0x2800, $0x38;
	[tilespmem:$0x16000] =	vst v63  }
0x22: {  	_ =	swait.ge [sflag:s11], $0x2800  }
0x23: {  	[sflag:s11] =	ssyncset.done $0x0  }
0x24: {  	[sflag:s11] =	ssyncadd.s32 $0xFFFFD800  }
0x25: {  	[spmem:s14], [sflag:s13] =	dma.local [hbm:s7], $0xA00  }
0x26: {  	_ =	swait.ge [sflag:s11], $0xA00  }
0x27: {  	[sflag:s11] =	ssyncset.done $0x0  }
0x28: {  	s28 =	simm.s32 $0x80;
	s29 =	simm.s32 $0x0;
	[sflag:s11] =	ssyncadd.s32 $0xFFFFF600  }
.LBB2_2:
0x29: {  	p0 =	sne.s32 s28, $0x13F80;
	[tilespmem:s29+$0x7000] =	vst v0;
	s30 =	smov.u32 s28;
	s28 =	sadd.s32 $0x80, s28  }
.Ltmp2:
0x2a: {  	[tilespmem:s29+$0x7010] =	vst v0;
	(pc) =	sbr.rel @p0 .LBB2_2-.Ltmp2, $2  }
0x2b: {  	_ =	sdelay $0x2  }
0x2c: {  	s29 =	sshra.s32 s30, $0x2  }
0x2d: {  	[tilespmem:s29+$0x7000] =	vst v0  }
0x2e: {  	[tilespmem:s29+$0x7010] =	vst v0  }
0x2f: {  	[spmem:s8] =	stream.linear.scatter [tilespmem:s15], [sflag:$0x5], $0x5000, $0x38;
	[tilespmem:$0x16000] =	vst v63  }
0x30: {  	_ =	swait.ge [sflag:s11], $0x5000  }
0x31: {  	[sflag:s11] =	ssyncset.done $0x0  }
0x32: {  	[sflag:s11] =	ssyncadd.s32 $0xFFFFB000  }
0x33: {  	[bflag:$0x0] =	sbarrier.arrive $0xFFFF  }
0x34: {  	[tilespmem:s17], [sflag:$0x1] =	stream.indirect.gather [spmem:s1], $0x20, s4, s16, $0xb8;
	[tilespmem:$0x16000] =	vst v63  }
0x35: {  	_ =	swait.ge [sflag:s18], $0x1000  }
0x36: {  	[sflag:s18] =	ssyncset.done $0x0  }
0x37: {  	[sflag:s18] =	ssyncadd.s32 $0xFFFFF000  }
0x38: {  	[tilespmem:s19], [sflag:$0x2] =	stream.indirect.gather [spmem:s1], $0x20, s16, s16, $0xb8;
	[tilespmem:$0x16000] =	vst v63  }
0x39: {  	_ = 	snop  }
0x3a: {  	[spmem:s2] =	stream.indirect.scatter.add.f32 [tilespmem:s17], [sflag:$0x3], $0x20, s12, s16, $0xb8;
	[tilespmem:$0x16000] =	vst v63  }
0x3b: {  	_ =	swait.ge [sflag:s20], $0x1000  }
0x3c: {  	[sflag:s20] =	ssyncset.done $0x0  }
0x3d: {  	[sflag:s20] =	ssyncadd.s32 $0xFFFFF000  }
0x3e: {  	_ =	swait.ge [sflag:s21], $0x1000  }
0x3f: {  	[sflag:s21] =	ssyncset.done $0x0  }
0x40: {  	[sflag:s21] =	ssyncadd.s32 $0xFFFFF000  }
0x41: {  	[tilespmem:s17], [sflag:$0x1] =	stream.indirect.gather [spmem:s1], $0x20, s22, s16, $0xb8;
	[tilespmem:$0x16000] =	vst v63  }
0x42: {  	s28 =	simm.s32 $0xFFFF6800  }
0x43: {  	[spmem:s2] =	stream.indirect.scatter.add.f32 [tilespmem:s19], [sflag:$0x4], $0x20, s23, s16, $0xb8;
	[tilespmem:$0x16000] =	vst v63  }
.LBB2_4:
0x44: {  	_ =	swait.ge [sflag:s18], $0x1000  }
0x45: {  	[sflag:s18] =	ssyncset.done $0x0  }
0x46: {  	[sflag:s18] =	ssyncadd.s32 $0xFFFFF000  }
0x47: {  	_ =	swait.ge [sflag:s24], $0x1000  }
0x48: {  	s29 =	sshra.s32 s28, $0x2;
	[sflag:s24] =	ssyncset.done $0x0  }
0x49: {  	s30 =	sadd.s32 $0x2780, s29;
	[sflag:s24] =	ssyncadd.s32 $0xFFFFF000  }
0x4a: {  	[tilespmem:s19], [sflag:$0x2] =	stream.indirect.gather [spmem:s1], $0x20, s30, s16, $0xb8;
	[tilespmem:$0x16000] =	vst v63  }
0x4b: {  	s30 =	sadd.s32 $0x4F00, s29  }
0x4c: {  	[spmem:s2] =	stream.indirect.scatter.add.f32 [tilespmem:s17], [sflag:$0x3], $0x20, s30, s16, $0xb8;
	[tilespmem:$0x16000] =	vst v63  }
0x4d: {  	p0 =	seq.s32 s28, $0x0;
	_ =	swait.ge [sflag:s20], $0x1000  }
.Ltmp3:
0x4e: {  	[sflag:s20] =	ssyncset.done $0x0;
	(pc) =	sbr.rel @p0 .LBB2_6-.Ltmp3, $4  }
0x4f: {  	[sflag:s20] =	ssyncadd.s32 $0xFFFFF000  }
0x50: {  	_ =	swait.ge [sflag:s21], $0x1000  }
0x51: {  	[sflag:s21] =	ssyncset.done $0x0  }
0x52: {  	s30 =	sadd.s32 $0x4F80, s29;
	[sflag:s21] =	ssyncadd.s32 $0xFFFFF000  }
.Ltmp4:
0x53: {  	(pc) =	sbr.rel .LBB2_4-.Ltmp4, $4  }
0x54: {  	s29 =	sadd.s32 $0x2800, s29  }
0x55: {  	[tilespmem:s17], [sflag:$0x1] =	stream.indirect.gather [spmem:s1], $0x20, s29, s16, $0xb8;
	[tilespmem:$0x16000] =	vst v63  }
0x56: {  	s28 =	sadd.s32 $0x400, s28  }
0x57: {  	[spmem:s2] =	stream.indirect.scatter.add.f32 [tilespmem:s19], [sflag:$0x4], $0x20, s30, s16, $0xb8;
	[tilespmem:$0x16000] =	vst v63  }
.LBB2_7:
0x58: {  	_ =	sfence.sel $0x180000  }
0x59: {  	[bflag:$0x0] =	sbarrier.arrive $0xFFFF  }
0x5a: {  	p0 =	sne.s32 s3, $0x0;
	_ =	strace $0x9000004D  }
0x5b: {  	s0 =	sadd.s32 @!p0 $0x100000, s0;
	[bflag:$0x2] =	sbarrier.arrive $0xFFFF  }
0x5c: {  	[sflag:s0] =	ssyncadd.tile.s32 @!p0 $0x1;
	_ =	shalt  }
.Lfunc_end2:
_tile_overlayer_lowered:
.L_overlay_start_2:
0x5d: {  	(tag) =	ssettag $0x2  }
0x5e: {  	s0 =	rddreg [dreg:$0x0];
	s2 =	stileid.u32  }
0x5f: {  	s1 =	rddreg [dreg:$0x1];
	p0 =	sne.s32 s2, $0x0  }
0x60: {  	s3 =	rddreg [dreg:$0x2];
	[bflag:$0x3] =	sbarrier.arrive $0xFFFF;
	s2 =	simm.s32 @!p0 $0x1C05  }
0x61: {  	[timem:s3], [sflag:s2] =	dma.local @!p0 [hbm:s0], s1  }
0x62: {  	s0 =	simm.s32 @!p0 $0x5  }
0x63: {  	_ =	swait.ge @!p0 [sflag:s0], s1  }
0x64: {  	s1 =	ssub.s32 @!p0 $0x0, s1;
	[sflag:s0] =	ssyncset.done @!p0 $0x0  }
0x65: {  	[sflag:s0] =	ssyncadd.s32 @!p0 s1  }
0x66: {  	[bflag:$0x3] =	sbarrier.arrive $0xFFFF  }
0x67: {  	_ =	shalt  }

// kernel: kernel.8.cloned.1.call-start
scs
__scs_entry_jumppad:
0x0: {  	(pc) =	sbr.rel $0x88, $3  }
0x1: {  	(tag) =	ssettag $0x0;
	lr =	simm.s32 $0x1  }
0x2: {  	[smem:$0x3F99] =	sst lr;
	_ =	strace $0xD0000000  }
0x3: {  	_ = 	snop  }
0x4: {  	_ = 	snop  }
0x5: {  	_ = 	snop  }
0x6: {  	_ = 	snop  }
0x7: {  	_ = 	snop  }
__scs_overlays_trampoline_lowered:
0x8: {  	[smem:$0x3FA8] =	sst s0  }
0x9: {  	[smem:$0x3FA9] =	sst s1  }
0xa: {  	[smem:$0x3FAA] =	sst s2  }
0xb: {  	[smem:$0x3FAB] =	sst s3  }
0xc: {  	[smem:$0x3FAC] =	sst s4  }
0xd: {  	[smem:$0x3FAD] =	sst s5  }
0xe: {  	[smem:$0x3FAE] =	sst s6  }
0xf: {  	[smem:$0x3FAF] =	sst s7  }
0x10: {  	[smem:$0x3FB0] =	sst s8  }
0x11: {  	[smem:$0x3FB1] =	sst s9;
	s0 =	simm.s32 @!p0 $0x0  }
0x12: {  	s1 =	sld [smem:$0x3F97];
	s0 =	simm.s32 @p0 $0x1  }
0x13: {  	[smem:$0x3FB2] =	sst s0;
	s0 =	simm.s32 @!p1 $0x0  }
0x14: {  	s2 =	sld [smem:$0x3F96];
	s0 =	simm.s32 @p1 $0x1  }
0x15: {  	[smem:$0x3FB3] =	sst s0;
	s0 =	simm.s32 @!p2 $0x0  }
0x16: {  	s3 =	sld [smem:$0x3FDB];
	s0 =	simm.s32 @p2 $0x1  }
0x17: {  	s4 =	simm.s32 $0x1BF5;
	[smem:$0x3FB5] =	sst s0  }
0x18: {  	s0 =	sld [smem:$0x3F98];
	_ =	swait.ge [sflag:s4], $0x0  }
0x19: {  	s7 =	sld [smem:$0x3F99]  }
0x1a: {  	s8 =	sadd.s32 $0xFFFFE003, lr  }
0x1b: {  	s9 =	sadd.s32 $0xFFFFFEF7, lr;
	s5 =	simm.s32 $0xFFFFFFFF;
	p2 =	slt.u32 s8, $0xFFFFF086  }
0x1c: {  	p1 =	slt.u32 s9, $0xF7A;
	s5 =	simm.s32 @!p2 $0x0  }
0x1d: {  	s5 =	simm.s32 @p1 $0x1;
	p0 =	seq.s32 s7, s2  }
0x1e: {  	s7 =	smul.u32 @!p0 $0xF7A, s2;
	p2 =	seq.s32 @!p0 s5, $0x0  }
0x1f: {  	s9 =	smul.u32 $0xF7A, s1;
	s8 =	simm.s32 @!p0 $0x1BF5;
	p2 =	por !p2, p0  }
0x20: {  	[sflag:s8] =	ssyncset.s32 @!p0 $0xFFFFF086;
	s6 =	sadd.s32 @!p0 s3, s7;
	s7 =	simm.s32 @!p0 $0x108  }
0x21: {  	s3 =	sadd.s32 s3, s9;
	s6 =	sadd.s32 @!p0 $0x88, s6;
	s7 =	simm.s32 @p2 $0x1082  }
0x22: {  	[simem:s7], [sflag:s8] =	dma.local @!p0 [hbm:s6], $0xF7A  }
0x23: {  	s9 =	sor.u32 $0xD0000000, s2;
	s6 =	simm.s32 $0x108;
	_ =	swait.ge @!p0 [sflag:s8], $0x0  }
0x24: {  	s3 =	sadd.s32 $0x88, s3;
	s6 =	simm.s32 @!p1 $0x1082;
	[sflag:s4] =	ssyncset.s32 $0xFFFFF086  }
0x25: {  	[simem:s6], [sflag:s4] =	dma.local [hbm:s3], $0xF7A  }
0x26: {  	[smem:$0x3F99] =	sst s1;
	(tag) =	ssettag s2;
	_ =	strace s9  }
0x27: {  	s1 =	sld [smem:$0x3FA9]  }
0x28: {  	s2 =	sld [smem:$0x3FAA]  }
0x29: {  	s4 =	sld [smem:$0x3FAC]  }
0x2a: {  	p0 =	seq.s32 s5, $0x0;
	s5 =	sld [smem:$0x3FAD]  }
0x2b: {  	s6 =	sld [smem:$0x3FAE]  }
0x2c: {  	s7 =	sld [smem:$0x3FAF]  }
0x2d: {  	s3 =	simm.s32 $0x108;
	s8 =	sld [smem:$0x3FB0]  }
0x2e: {  	s3 =	simm.s32 @!p0 $0x1082;
	s9 =	sld [smem:$0x3FB1]  }
0x2f: {  	lr =	sadd.s32 s0, s3;
	s0 =	sld [smem:$0x3FA8]  }
0x30: {  	s3 =	sld [smem:$0x3FAB]  }
0x31: {  	[smem:$0x3FB4] =	sst s10  }
0x32: {  	s10 =	sld [smem:$0x3FB2];
	_ =	sdelay $0x3  }
0x33: {  	p0 =	seq.s32 s10, $0x1;
	s10 =	sld [smem:$0x3FB4];
	_ =	sdelay $0x3  }
0x34: {  	[smem:$0x3FB4] =	sst s10  }
0x35: {  	s10 =	sld [smem:$0x3FB3];
	_ =	sdelay $0x3  }
0x36: {  	p1 =	seq.s32 s10, $0x1;
	s10 =	sld [smem:$0x3FB4];
	_ =	sdelay $0x3  }
0x37: {  	[smem:$0x3FB4] =	sst s10  }
0x38: {  	s10 =	sld [smem:$0x3FB5]  }
0x39: {  	_ = 	snop;
	(pc) =	sbr.ind lr, $3  }
0x3a: {  	_ = 	snop  }
0x3b: {  	_ = 	snop  }
0x3c: {  	p2 =	seq.s32 s10, $0x1;
	s10 =	sld [smem:$0x3FB4]  }
0x3d: {  	_ =	shalt  }
0x3e: {  	_ =	shalt  }
0x3f: {  	_ =	shalt  }
0x40: {  	_ =	shalt  }
0x41: {  	_ =	shalt  }
0x42: {  	_ =	shalt  }
0x43: {  	_ =	shalt  }
0x44: {  	_ =	shalt  }
0x45: {  	_ =	shalt  }
0x46: {  	_ =	shalt  }
0x47: {  	_ =	shalt  }
0x48: {  	_ =	shalt  }
0x49: {  	_ =	shalt  }
0x4a: {  	_ =	shalt  }
0x4b: {  	_ =	shalt  }
0x4c: {  	_ =	shalt  }
0x4d: {  	_ =	shalt  }
0x4e: {  	_ =	shalt  }
0x4f: {  	_ =	shalt  }
0x50: {  	_ =	shalt  }
0x51: {  	_ =	shalt  }
0x52: {  	_ =	shalt  }
0x53: {  	_ =	shalt  }
0x54: {  	_ =	shalt  }
0x55: {  	_ =	shalt  }
0x56: {  	_ =	shalt  }
0x57: {  	_ =	shalt  }
0x58: {  	_ =	shalt  }
0x59: {  	_ =	shalt  }
0x5a: {  	_ =	shalt  }
0x5b: {  	_ =	shalt  }
0x5c: {  	_ =	shalt  }
0x5d: {  	_ =	shalt  }
0x5e: {  	_ =	shalt  }
0x5f: {  	_ =	shalt  }
0x60: {  	_ =	shalt  }
0x61: {  	_ =	shalt  }
0x62: {  	_ =	shalt  }
0x63: {  	_ =	shalt  }
0x64: {  	_ =	shalt  }
0x65: {  	_ =	shalt  }
0x66: {  	_ =	shalt  }
0x67: {  	_ =	shalt  }
0x68: {  	_ =	shalt  }
0x69: {  	_ =	shalt  }
0x6a: {  	_ =	shalt  }
0x6b: {  	_ =	shalt  }
0x6c: {  	_ =	shalt  }
0x6d: {  	_ =	shalt  }
0x6e: {  	_ =	shalt  }
0x6f: {  	_ =	shalt  }
0x70: {  	_ =	shalt  }
0x71: {  	_ =	shalt  }
0x72: {  	_ =	shalt  }
0x73: {  	_ =	shalt  }
0x74: {  	_ =	shalt  }
0x75: {  	_ =	shalt  }
0x76: {  	_ =	shalt  }
0x77: {  	_ =	shalt  }
0x78: {  	_ =	shalt  }
0x79: {  	_ =	shalt  }
0x7a: {  	_ =	shalt  }
0x7b: {  	_ =	shalt  }
0x7c: {  	_ =	shalt  }
0x7d: {  	_ =	shalt  }
0x7e: {  	_ =	shalt  }
0x7f: {  	_ =	shalt  }
0x80: {  	_ =	shalt  }
0x81: {  	_ =	shalt  }
0x82: {  	_ =	shalt  }
0x83: {  	_ =	shalt  }
0x84: {  	_ =	shalt  }
0x85: {  	_ =	shalt  }
0x86: {  	_ =	shalt  }
0x87: {  	_ =	shalt  }
.Lfunc_end0:
.L_simem_size_0:
called_computation_lowered:
.L_overlay_start_0:
0x88: {  	s2 =	sld [smem:$0x3FD9]  }
0x89: {  	s3 =	sld [smem:$0x3FFE];
	_ =	sdelay $0x1  }
0x8a: {  	s1 =	srdreg.scid  }
0x8b: {  	s0 =	sand.u32 $0x1, s1  }
0x8c: {  	s16 =	sshll.u32 s0, $0xA;
	s2 =	sadd.s32 s3, s2  }
0x8d: {  	s2 =	sadd.s32 s2, s16  }
0x8e: {  	[smem:$0x3FC0] =	sst s2  }
0x8f: {  	_ = 	snop  }
0x90: {  	(tm) =	ssettm $0x1  }
0x91: {  	s17 =	sld [smem:$0x3FFB];
	_ =	sdelay $0x3  }
0x92: {  	_ =	strace s17  }
0x93: {  	s2 =	sld [smem:$0x3FFC];
	_ =	sdelay $0x3  }
0x94: {  	_ =	strace s2  }
0x95: {  	s2 =	sld [smem:$0x3FFD];
	_ =	sdelay $0x3  }
0x96: {  	_ =	strace s2  }
0x97: {  	_ =	strace $0x8FFFFFFF  }
0x98: {  	s18 =	sld [smem:$0x3FDB];
	_ =	sdelay $0x1  }
0x99: {  	s19 =	simm.s32 $_scs_section_size  }
0x9a: {  	s4 =	simm.s32 $_size__tile_overlayer_lowered;
	s5 =	simm.s32 $_tile_overlayer_lowered  }
0x9b: {  	s22 =	simm.s32 $0x1BFF;
	s21 =	sshll.u32 s5, $0x1;
	s2 =	sadd.s32 s19, s18  }
0x9c: {  	s6 =	simm.s32 $0x0;
	s20 =	sshll.u32 s4, $0x1;
	s4 =	sadd.s32 s21, s2  }
0x9d: {  	[timem:s6], [sflag:s22] =	dma.local [hbm:s4], s20  }
0x9e: {  	_ =	swait.ge [sflag:s22], s20  }
0x9f: {  	s3 =	ssub.s32 $0x0, s20;
	[sflag:s22] =	ssyncset.done $0x0  }
0xa0: {  	[sflag:s22] =	ssyncadd.s32 s3;
	_ =	sdelay $0x1  }
0xa1: {  	s23 =	simm.s32 $0x1B8B  }
0xa2: {  	_ =	swait.ge [sflag:s23], $0x1  }
0xa3: {  	[sflag:s23] =	ssyncset.done $0x0  }
0xa4: {  	s25 =	simm.s32 $0x1B8E;
	s24 =	sld [smem:$0x3FFE];
	[sflag:s23] =	ssyncadd.s32 $0xFFFFFFFF  }
0xa5: {  	s26 =	simm.s32 $execute0_lowered;
	[smem:$0x3FD2] =	sst s25  }
0xa6: {  	s4 =	sshll.u32 s26, $0x1;
	_ =	strace $0x80000046;
	[dreg:$0x1] =	wrdreg $0xFFFFFFFF  }
0xa7: {  	s28 =	simm.s32 $_size_execute0_lowered;
	s2 =	sadd.s32 s2, s4;
	[dreg:$0x0] =	wrdreg $0x0  }
0xa8: {  	s4 =	sshll.u32 s28, $0x1;
	[dreg:$0x2] =	wrdreg s2  }
0xa9: {  	[dreg:$0x3] =	wrdreg s4  }
0xaa: {  	[dreg:$0x4] =	wrdreg $0xC0  }
0xab: {  	_ =	task [dreg:s6], $0x5FFFF  }
0xac: {  	[dreg:$0x1] =	wrdreg $0xFFFFFFFF  }
0xad: {  	[dreg:$0x0] =	wrdreg $0x60  }
0xae: {  	[dreg:$0x2] =	wrdreg s24  }
0xaf: {  	[dreg:$0x3] =	wrdreg $0x2B000  }
0xb0: {  	[dreg:$0x4] =	wrdreg $0x9  }
0xb1: {  	_ =	task.clear_ibuf [dreg:s6], $0x5FFFF;
	_ =	strace $0x90000046  }
0xb2: {  	s29 =	simm.s32 $0x9;
	_ =	strace $0x80000048  }
0xb3: {  	_ =	swait.ge [sflag:s29], $0x1  }
0xb4: {  	[sflag:s29] =	ssyncadd.s32 $0xFFFFFFFF  }
0xb5: {  	_ =	strace $0x90000048  }
0xb6: {  	_ =	sfence  }
0xb7: {  	s30 =	sld [smem:$0x0];
	_ =	sdelay $0x2  }
0xb8: {  	s31 =	sshll.u32 s1, $0xD;
	s1 =	sshrl.u32 s1, $0x2  }
0xb9: {  	s3 =	sand.u32 $0x4000, s31;
	s1 =	sadd.s32 s1, s30  }
0xba: {  	s0 =	sor.u32 s3, s0;
	s1 =	sshll.u32 s1, $0x11  }
0xbb: {  	s0 =	sor.u32 s1, s0  }
0xbc: {  	s0 =	sadd.s32 $0x8F2B, s0  }
0xbd: {  	[sflag:s0] =	ssyncadd.remote.s32 $0x1  }
0xbe: {  	_ =	sfence.sel $0xFFFF  }
0xbf: {  	[dreg:$0x0] =	wrdreg $0xFFFFFFFF;
	(pc) =	sbr.abs _section_cstart, $3  }
0xc0: {  	[dreg:$0x1] =	wrdreg $0xFFFFFFFF  }
0xc1: {  	_ =	task.clear_ibuf [dreg:s6], $0x2FFFF;
	_ =	strace $0x9FFFFFFF  }
0xc2: {  	(tm) =	ssettm $0x7FFFFFFF  }
0xc3: {  	_ =	shalt  }
tec
execute0_lowered:
.L_overlay_start_1:
0x0: {  	(tag) =	ssettag $0x1  }
0x1: {  	s4 =	rddreg [dreg:$0x0]  }
0x2: {  	s2 =	rddreg [dreg:$0x1];
	s3 =	srdreg.scid  }
0x3: {  	s1 =	stileid.u32;
	s0 =	rddreg [dreg:$0x2];
	s10 =	simm.s32 $0x80  }
0x4: {  	s11 =	simm.s32 $0x2800;
	s14 =	simm.s32 $0x0;
	s5 =	sand.u32 $0x1, s3  }
0x5: {  	s6 =	smul.u32 $0x280, s1;
	s3 =	simm.s32 $0x0;
	s12 =	sshll.u32 s1, $0x6  }
0x6: {  	s7 =	sshll.u32 s5, $0x4;
	s8 =	smul.u32 $0x2800, s5;
	[smem:$0x7FF] =	sst s3  }
0x7: {  	s5 =	ssub.s32 $0x2, s5;
	s12 =	sor.u32 $0x1C01, s12;
	s7 =	sor.u32 s1, s7  }
0x8: {  	s9 =	sshrl.u32 s5, $0x1;
	s7 =	smul.u32 $0x500, s7;
	s8 =	sadd.s32 s6, s8  }
0x9: {  	_ =	strace $0x80000047;
	s9 =	ssub.s32 s5, s9;
	s8 =	sshrl.u32 s8, $0x3  }
0xa: {  	s5 =	sadd.s32 s6, s2;
	s7 =	sadd.s32 s7, s4;
	s8 =	sadd.s32 s8, s4  }
0xb: {  	s13 =	sshrl.u32 s5, $0x3;
	s4 =	sadd.s32 $0x2600, s7;
	s6 =	sadd.s32 $0x16600, s8  }
0xc: {  	v0 =	vimm.f32 $1.000000000e+00;
	v1 =	vimm.f32 $0.0e+00;
	s7 =	smax.u32 s9, $0x1;
	s8 =	simm.s32 $0x1;
	s9 =	simm.s32 $0x2880  }
.LBB2_1:
0xd: {  	[tilespmem:s3], [sflag:$0x1] =	stream.linear.gather [hbm4b:s4+s3], $0x2800, $0x38;
	[tilespmem:$0x2D80] =	vst v63  }
0xe: {  	_ =	swait.ge [sflag:s8], $0x2800  }
0xf: {  	[sflag:s8] =	ssyncset.done $0x0  }
0x10: {  	[sflag:s8] =	ssyncadd.s32 $0xFFFFD800  }
0x11: {  	[tilespmem:$0x2800] =	vst v0  }
0x12: {  	[tilespmem:$0x2810] =	vst v0  }
0x13: {  	[tilespmem:$0x2820] =	vst v0  }
0x14: {  	[tilespmem:$0x2830] =	vst v0  }
0x15: {  	[tilespmem:$0x2840] =	vst v0  }
0x16: {  	[tilespmem:$0x2850] =	vst v0  }
0x17: {  	[tilespmem:$0x2860] =	vst v0  }
0x18: {  	[tilespmem:$0x2870] =	vst v0  }
0x19: {  	[tilespmem:$0x2880] =	vst v1  }
0x1a: {  	[tilespmem:$0x2890] =	vst v1  }
0x1b: {  	[tilespmem:$0x28A0] =	vst v1  }
0x1c: {  	[tilespmem:$0x28B0] =	vst v1  }
0x1d: {  	[tilespmem:$0x28C0] =	vst v1  }
0x1e: {  	[tilespmem:$0x28D0] =	vst v1  }
0x1f: {  	[tilespmem:$0x28E0] =	vst v1  }
0x20: {  	[tilespmem:$0x28F0] =	vst v1  }
0x21: {  	[tilespmem:$0x2900] =	vst v1  }
0x22: {  	[tilespmem:$0x2910] =	vst v1  }
0x23: {  	[tilespmem:$0x2920] =	vst v1  }
0x24: {  	[tilespmem:$0x2930] =	vst v1  }
0x25: {  	[tilespmem:$0x2940] =	vst v1  }
0x26: {  	[tilespmem:$0x2950] =	vst v1  }
0x27: {  	[tilespmem:$0x2960] =	vst v1  }
0x28: {  	[tilespmem:$0x2970] =	vst v1  }
0x29: {  	[tilespmem:$0x2980] =	vst v1  }
0x2a: {  	[tilespmem:$0x2990] =	vst v1  }
0x2b: {  	[tilespmem:$0x29A0] =	vst v1  }
0x2c: {  	[tilespmem:$0x29B0] =	vst v1  }
0x2d: {  	[tilespmem:$0x29C0] =	vst v1  }
0x2e: {  	[tilespmem:$0x29D0] =	vst v1  }
0x2f: {  	[tilespmem:$0x29E0] =	vst v1  }
0x30: {  	[tilespmem:$0x29F0] =	vst v1  }
0x31: {  	[tilespmem:$0x2A00] =	vst v1  }
0x32: {  	[tilespmem:$0x2A10] =	vst v1  }
0x33: {  	[tilespmem:$0x2A20] =	vst v1  }
0x34: {  	[tilespmem:$0x2A30] =	vst v1  }
0x35: {  	[tilespmem:$0x2A40] =	vst v1  }
0x36: {  	[tilespmem:$0x2A50] =	vst v1  }
0x37: {  	[tilespmem:$0x2A60] =	vst v1  }
0x38: {  	[tilespmem:$0x2A70] =	vst v1  }
0x39: {  	[tilespmem:$0x2A80] =	vst v1  }
0x3a: {  	[tilespmem:$0x2A90] =	vst v1  }
0x3b: {  	[tilespmem:$0x2AA0] =	vst v1  }
0x3c: {  	[tilespmem:$0x2AB0] =	vst v1  }
0x3d: {  	[tilespmem:$0x2AC0] =	vst v1  }
0x3e: {  	[tilespmem:$0x2AD0] =	vst v1  }
0x3f: {  	[tilespmem:$0x2AE0] =	vst v1  }
0x40: {  	[tilespmem:$0x2AF0] =	vst v1  }
0x41: {  	[spmem:s5] =	stream.linear.scatter [tilespmem:s9], [sflag:$0x1], $0x280, $0x38;
	[tilespmem:$0x2D80] =	vst v63  }
0x42: {  	_ =	swait.ge [sflag:s8], $0x280  }
0x43: {  	[sflag:s8] =	ssyncset.done $0x0  }
0x44: {  	[sflag:s8] =	ssyncadd.s32 $0xFFFFFD80  }
0x45: {  	s15 =	simm.s32 $0x0;
	[bflag:$0x0] =	sbarrier.arrive $0xFFFF  }
0x46: {  	[spmem:s2] =	stream.indirect.scatter.add.f32 [tilespmem:s11], [sflag:$0x1], $0x1, s15, s10, $0xb8;
	[tilespmem:$0x2D80] =	vst v63  }
0x47: {  	_ =	swait.ge [sflag:s8], $0x80  }
0x48: {  	s15 =	simm.s32 $0x200;
	[sflag:s8] =	ssyncset.done $0x0  }
.LBB2_2:
0x49: {  	s16 =	sshra.s32 s15, $0x2;
	[sflag:s8] =	ssyncadd.s32 $0xFFFFFF80;
	p0 =	sne.s32 s15, $0x9E00  }
0x4a: {  	[spmem:s2] =	stream.indirect.scatter.add.f32 [tilespmem:s11], [sflag:$0x1], $0x1, s16, s10, $0xb8;
	[tilespmem:$0x2D80] =	vst v63  }
.Ltmp0:
0x4b: {  	_ = 	snop;
	(pc) =	sbr.rel @p0 .LBB2_2-.Ltmp0, $4  }
0x4c: {  	_ = 	snop  }
0x4d: {  	s15 =	sadd.s32 $0x200, s15  }
0x4e: {  	_ =	swait.ge [sflag:s8], $0x80  }
0x4f: {  	[sflag:s8] =	ssyncset.done $0x0  }
0x50: {  	s14 =	sadd.s32 $0x1, s14  }
0x51: {  	[sflag:s8] =	ssyncadd.s32 $0xFFFFFF80;
	p0 =	sne.s32 s14, s7  }
.Ltmp1:
0x52: {  	[bflag:$0x0] =	sbarrier.arrive $0xFFFF;
	(pc) =	sbr.rel @p0 .LBB2_1-.Ltmp1, $4  }
0x53: {  	[hbm:s6], [sflag:s12] =	dma.local [spmem:s13], $0x50  }
0x54: {  	_ =	swait.ge [sflag:s8], $0x50  }
0x55: {  	[sflag:s8] =	ssyncset.done $0x0  }
0x56: {  	[sflag:s8] =	ssyncadd.s32 $0xFFFFFFB0  }
0x57: {  	_ =	sfence.sel $0x180000  }
0x58: {  	[bflag:$0x0] =	sbarrier.arrive $0xFFFF  }
0x59: {  	p0 =	sne.s32 s1, $0x0;
	_ =	strace $0x90000047  }
0x5a: {  	s0 =	sadd.s32 @!p0 $0x100000, s0;
	[bflag:$0x2] =	sbarrier.arrive $0xFFFF  }
0x5b: {  	[sflag:s0] =	ssyncadd.tile.s32 @!p0 $0x1;
	_ =	shalt  }
.Lfunc_end2:
_tile_overlayer_lowered:
.L_overlay_start_2:
0x5c: {  	(tag) =	ssettag $0x2  }
0x5d: {  	s0 =	rddreg [dreg:$0x0];
	s2 =	stileid.u32  }
0x5e: {  	s1 =	rddreg [dreg:$0x1];
	p0 =	sne.s32 s2, $0x0  }
0x5f: {  	s3 =	rddreg [dreg:$0x2];
	[bflag:$0x3] =	sbarrier.arrive $0xFFFF;
	s2 =	simm.s32 @!p0 $0x1C01  }
0x60: {  	[timem:s3], [sflag:s2] =	dma.local @!p0 [hbm:s0], s1  }
0x61: {  	s0 =	simm.s32 @!p0 $0x1  }
0x62: {  	_ =	swait.ge @!p0 [sflag:s0], s1  }
0x63: {  	s1 =	ssub.s32 @!p0 $0x0, s1;
	[sflag:s0] =	ssyncset.done @!p0 $0x0  }
0x64: {  	[sflag:s0] =	ssyncadd.s32 @!p0 s1  }
0x65: {  	[bflag:$0x3] =	sbarrier.arrive $0xFFFF  }
0x66: {  	_ =	shalt  }

</sc_bundles>
